<compile_context>
chip_gen: v7x
topology: tpu7x:2x2x1
jax: 0.10.2.dev20260603
libtpu: 0.0.44.dev20260713+nightly
codegen_flags: <defaults>
</compile_context>

<pallas_src>
import functools

import jax
import jax.numpy as jnp
from jax import lax
from jax.experimental import pallas as pl
from jax.experimental.pallas import tpu as pltpu
from jax.experimental.pallas import tpu_sc as plsc

VOCAB = 76
DIM = 768
B, L = 64, 1024

NC, NS = 2, 16
NW = NC * NS
ROWS = B * L
ROWS_PER_W = ROWS // NW
CHUNK = 32
NCHUNK = ROWS_PER_W // CHUNK
NBUF = 4
NGROUP = NCHUNK // NBUF


def _sc_gather(ids_hbm, table_hbm, out_hbm, idx_v, bufs, sg, so):
    wid = lax.axis_index("s") * NC + lax.axis_index("c")
    base = wid * ROWS_PER_W
    pltpu.sync_copy(ids_hbm.at[wid], idx_v)

    def gather(c, b):
        return pltpu.make_async_copy(table_hbm.at[idx_v.at[c]], bufs[b], sg[b])

    def writeout(c, b):
        return pltpu.make_async_copy(
            bufs[b], out_hbm.at[pl.ds(base + c * CHUNK, CHUNK)], so[b]
        )

    for b in range(NBUF - 1):
        gather(b, b).start()

    def group_body(j, carry):
        for b in range(NBUF):
            c = j * NBUF + b
            gather(c, b).wait()
            writeout(c, b).start()
            bp = (b - 1) % NBUF

            @pl.when(c >= 1)
            def _():
                writeout(c - 1, bp).wait()

            @pl.when(c + NBUF - 1 < NCHUNK)
            def _():
                gather(c + NBUF - 1, bp).start()

        return carry

    lax.fori_loop(0, NGROUP, group_body, 0)
    writeout(NCHUNK - 1, NBUF - 1).wait()


@functools.partial(jax.jit, static_argnames=())
def kernel(phoneme_ids, table):
    ids = phoneme_ids.astype(jnp.int32).reshape(NW, NCHUNK, CHUNK)
    ids = ids + (jnp.arange(NW, dtype=jnp.int32) * VOCAB)[:, None, None]
    table_rep = jnp.broadcast_to(table, (NW,) + table.shape).reshape(NW * VOCAB, DIM)
    mesh = plsc.VectorSubcoreMesh(
        core_axis_name="c", subcore_axis_name="s", num_cores=NC, num_subcores=NS
    )
    out = pl.kernel(
        _sc_gather,
        out_type=jax.ShapeDtypeStruct((ROWS, DIM), jnp.float32),
        mesh=mesh,
        scratch_types=[
            pltpu.VMEM((NCHUNK, CHUNK), jnp.int32),
            [pltpu.VMEM((CHUNK, DIM), jnp.float32) for _ in range(NBUF)],
            [pltpu.SemaphoreType.DMA for _ in range(NBUF)],
            [pltpu.SemaphoreType.DMA for _ in range(NBUF)],
        ],
    )(ids, table_rep)
    embeds = out.reshape(B, L, DIM)
    mask = jnp.ones((B, L), dtype=jnp.float32)
    return (embeds, mask)

# --- scband reference (transcript-rebuilt; emitter-appended) ---
"""Pipeline reference for scband-phoneme-conditioner-36704790511929 (READ-ONLY COPY).

The authoritative reference and input builder live on the scoring server;
editing this copy changes nothing except your own understanding.
"""

import jax, jax.numpy as jnp
import numpy as np

VOCAB = 76  # len(g2p.phonemes) + 2
DIM = 768
B, L = 64, 1024


def setup_inputs(seed: int = 0) -> dict:
    key = jax.random.key(seed)
    k1, k2 = jax.random.split(key)
    phoneme_ids = jax.random.randint(k1, (B, L), 0, VOCAB, dtype=jnp.int64 if jax.config.jax_enable_x64 else jnp.int32)
    table = jax.random.normal(k2, (VOCAB, DIM), dtype=jnp.float32) * 0.02
    return {"phoneme_ids": phoneme_ids, "table": table}


def reference(phoneme_ids, table):
    # phoneme_embeds = self.phoneme_embedder(phoneme_ids)
    phoneme_embeds = jnp.take(table, phoneme_ids, axis=0)
    # proj_out is nn.Identity (project_out=False, dim == output_dim)
    mask = jnp.ones((phoneme_embeds.shape[0], phoneme_embeds.shape[1]), dtype=jnp.float32)
    return (phoneme_embeds, mask)

if __name__ == "__main__":
    import jax
    _d = setup_inputs()
    print(jax.jit(kernel)(*tuple(_d.values())))

</pallas_src>

<mosaic_0001>
#map = affine_map<(d0, d1) -> (0, 0, 0)>
#map1 = affine_map<(d0, d1) -> (0, 0)>
module attributes {stable_mosaic.version = 14 : i64} {
  func.func @_sc_gather(%arg0: i32, %arg1: i32, %arg2: memref<32x64x32xi32, #tpu.memory_space<hbm>>, %arg3: memref<2432x768xf32, #tpu.memory_space<hbm>>, %arg4: memref<65536x768xf32, #tpu.memory_space<hbm>>, %arg5: memref<64x32xi32, #tpu.memory_space<vmem>>, %arg6: memref<32x768xf32, #tpu.memory_space<vmem>>, %arg7: memref<32x768xf32, #tpu.memory_space<vmem>>, %arg8: memref<32x768xf32, #tpu.memory_space<vmem>>, %arg9: memref<32x768xf32, #tpu.memory_space<vmem>>, %arg10: memref<!tpu.dma_semaphore, #tpu.memory_space<semaphore_mem>>, %arg11: memref<!tpu.dma_semaphore, #tpu.memory_space<semaphore_mem>>, %arg12: memref<!tpu.dma_semaphore, #tpu.memory_space<semaphore_mem>>, %arg13: memref<!tpu.dma_semaphore, #tpu.memory_space<semaphore_mem>>, %arg14: memref<!tpu.dma_semaphore, #tpu.memory_space<semaphore_mem>>, %arg15: memref<!tpu.dma_semaphore, #tpu.memory_space<semaphore_mem>>, %arg16: memref<!tpu.dma_semaphore, #tpu.memory_space<semaphore_mem>>, %arg17: memref<!tpu.dma_semaphore, #tpu.memory_space<semaphore_mem>>) attributes {dimension_semantics = [#tpu.dimension_semantics<core_parallel>, #tpu.dimension_semantics<subcore_parallel>], iteration_bounds = array<i64: 2, 16>, scalar_prefetch = 0 : i64, scratch_operands = 13 : i64, tpu.core_type = #tpu.core_type<sc_vector_subcore>, window_params = [{transform_indices = #map}, {transform_indices = #map1}, {transform_indices = #map1}]} {
    %mul3A = arith.constant 2 : i32
    %mul3A_0 = arith.muli %arg1, %mul3A : i32
    %add3A = arith.addi %mul3A_0, %arg0 : i32
    %mul3A_1 = arith.constant 2048 : i32
    %mul3A_2 = arith.muli %add3A, %mul3A_1 : i32
    "tpu.region"() ({
      %run_scoped3A = tpu.sem_alloc : memref<!tpu.dma_semaphore, #tpu.memory_space<semaphore_mem>>
      %dma_start3A_33 = arith.constant 0 : i32
      %dma_start3A_34 = arith.constant 0 : i32
      %dma_start3A_35 = tpu.memref_slice %arg2[%add3A, %dma_start3A_33, %dma_start3A_34] : memref<32x64x32xi32, #tpu.memory_space<hbm>> -> memref<1x64x32xi32, #tpu.memory_space<hbm>>
      %dma_start3A_36 = tpu.memref_squeeze %dma_start3A_35 : memref<1x64x32xi32, #tpu.memory_space<hbm>> -> memref<64x32xi32, #tpu.memory_space<hbm>>
      %dma_start3A_37 = arith.constant 0 : i32
      %dma_start3A_38 = arith.constant 0 : i32
      %dma_start3A_39 = tpu.memref_slice %arg2[%add3A, %dma_start3A_37, %dma_start3A_38] : memref<32x64x32xi32, #tpu.memory_space<hbm>> -> memref<1x64x32xi32, #tpu.memory_space<hbm>>
      %dma_start3A_40 = tpu.memref_squeeze %dma_start3A_39 : memref<1x64x32xi32, #tpu.memory_space<hbm>> -> memref<64x32xi32, #tpu.memory_space<hbm>>
      tpu.enqueue_dma source(%dma_start3A_40 : memref<64x32xi32, #tpu.memory_space<hbm>>) target(%arg5 : memref<64x32xi32, #tpu.memory_space<vmem>>) target_semaphore(%run_scoped3A : memref<!tpu.dma_semaphore, #tpu.memory_space<semaphore_mem>>)
      %dma_wait3A_41 = arith.constant 0 : i32
      %dma_wait3A_42 = arith.constant 0 : i32
      %dma_wait3A_43 = tpu.memref_slice %arg2[%add3A, %dma_wait3A_41, %dma_wait3A_42] : memref<32x64x32xi32, #tpu.memory_space<hbm>> -> memref<1x64x32xi32, #tpu.memory_space<hbm>>
      %dma_wait3A_44 = tpu.memref_squeeze %dma_wait3A_43 : memref<1x64x32xi32, #tpu.memory_space<hbm>> -> memref<64x32xi32, #tpu.memory_space<hbm>>
      %dma_wait3A_45 = arith.constant 0 : i32
      %dma_wait3A_46 = arith.constant 0 : i32
      %dma_wait3A_47 = tpu.memref_slice %arg2[%add3A, %dma_wait3A_45, %dma_wait3A_46] : memref<32x64x32xi32, #tpu.memory_space<hbm>> -> memref<1x64x32xi32, #tpu.memory_space<hbm>>
      %dma_wait3A_48 = tpu.memref_squeeze %dma_wait3A_47 : memref<1x64x32xi32, #tpu.memory_space<hbm>> -> memref<64x32xi32, #tpu.memory_space<hbm>>
      tpu.wait_dma2 semaphore(%run_scoped3A : memref<!tpu.dma_semaphore, #tpu.memory_space<semaphore_mem>>) src(%dma_wait3A_48 : memref<64x32xi32, #tpu.memory_space<hbm>>) dst(%arg5 : memref<64x32xi32, #tpu.memory_space<vmem>>)
      tpu.yield
    }) : () -> ()
    %dma_start3A = arith.constant 0 : i32
    %dma_start3A_3 = arith.constant 0 : i32
    %dma_start3A_4 = tpu.memref_slice %arg5[%dma_start3A, %dma_start3A_3] : memref<64x32xi32, #tpu.memory_space<vmem>> -> memref<1x32xi32, #tpu.memory_space<vmem>>
    %dma_start3A_5 = tpu.memref_squeeze %dma_start3A_4 : memref<1x32xi32, #tpu.memory_space<vmem>> -> memref<32xi32, #tpu.memory_space<vmem>>
    %dma_start3A_6 = arith.constant 0 : i32
    %dma_start3A_7 = arith.constant 0 : i32
    %dma_start3A_8 = tpu.memref_slice %arg3[%dma_start3A_6, %dma_start3A_7] : memref<2432x768xf32, #tpu.memory_space<hbm>> -> memref<2432x768xf32, #tpu.memory_space<hbm>>
    tpu.enqueue_indirect_dma source(%dma_start3A_8 : memref<2432x768xf32, #tpu.memory_space<hbm>>) target(%arg6 : memref<32x768xf32, #tpu.memory_space<vmem>>) offsets(%dma_start3A_5 : memref<32xi32, #tpu.memory_space<vmem>>) semaphore(%arg10 : memref<!tpu.dma_semaphore, #tpu.memory_space<semaphore_mem>>)
    %dma_start3A_9 = arith.constant 1 : i32
    %dma_start3A_10 = arith.constant 0 : i32
    %dma_start3A_11 = tpu.memref_slice %arg5[%dma_start3A_9, %dma_start3A_10] : memref<64x32xi32, #tpu.memory_space<vmem>> -> memref<1x32xi32, #tpu.memory_space<vmem>>
    %dma_start3A_12 = tpu.memref_squeeze %dma_start3A_11 : memref<1x32xi32, #tpu.memory_space<vmem>> -> memref<32xi32, #tpu.memory_space<vmem>>
    %dma_start3A_13 = arith.constant 0 : i32
    %dma_start3A_14 = arith.constant 0 : i32
    %dma_start3A_15 = tpu.memref_slice %arg3[%dma_start3A_13, %dma_start3A_14] : memref<2432x768xf32, #tpu.memory_space<hbm>> -> memref<2432x768xf32, #tpu.memory_space<hbm>>
    tpu.enqueue_indirect_dma source(%dma_start3A_15 : memref<2432x768xf32, #tpu.memory_space<hbm>>) target(%arg7 : memref<32x768xf32, #tpu.memory_space<vmem>>) offsets(%dma_start3A_12 : memref<32xi32, #tpu.memory_space<vmem>>) semaphore(%arg11 : memref<!tpu.dma_semaphore, #tpu.memory_space<semaphore_mem>>)
    %dma_start3A_16 = arith.constant 2 : i32
    %dma_start3A_17 = arith.constant 0 : i32
    %dma_start3A_18 = tpu.memref_slice %arg5[%dma_start3A_16, %dma_start3A_17] : memref<64x32xi32, #tpu.memory_space<vmem>> -> memref<1x32xi32, #tpu.memory_space<vmem>>
    %dma_start3A_19 = tpu.memref_squeeze %dma_start3A_18 : memref<1x32xi32, #tpu.memory_space<vmem>> -> memref<32xi32, #tpu.memory_space<vmem>>
    %dma_start3A_20 = arith.constant 0 : i32
    %dma_start3A_21 = arith.constant 0 : i32
    %dma_start3A_22 = tpu.memref_slice %arg3[%dma_start3A_20, %dma_start3A_21] : memref<2432x768xf32, #tpu.memory_space<hbm>> -> memref<2432x768xf32, #tpu.memory_space<hbm>>
    tpu.enqueue_indirect_dma source(%dma_start3A_22 : memref<2432x768xf32, #tpu.memory_space<hbm>>) target(%arg8 : memref<32x768xf32, #tpu.memory_space<vmem>>) offsets(%dma_start3A_19 : memref<32xi32, #tpu.memory_space<vmem>>) semaphore(%arg12 : memref<!tpu.dma_semaphore, #tpu.memory_space<semaphore_mem>>)
    %scan3A = arith.constant 0 : i32
    %scan3A_23 = arith.constant 0 : i32
    %scan3A_24 = arith.constant 16 : i32
    %scan3A_25 = arith.addi %scan3A_23, %scan3A_24 : i32
    %scan3A_26 = arith.constant 1 : i32
    scf.for %scan3A_33 = %scan3A_23 to %scan3A_25 step %scan3A_26  : i32 {
      %mul3A_34 = arith.constant 4 : i32
      %mul3A_35 = arith.muli %scan3A_33, %mul3A_34 : i32
      %add3A_36 = arith.constant 0 : i32
      %add3A_37 = arith.addi %mul3A_35, %add3A_36 : i32
      %dma_wait3A_38 = arith.constant 0 : i32
      %dma_wait3A_39 = tpu.memref_slice %arg5[%add3A_37, %dma_wait3A_38] : memref<64x32xi32, #tpu.memory_space<vmem>> -> memref<1x32xi32, #tpu.memory_space<vmem>>
      %dma_wait3A_40 = tpu.memref_squeeze %dma_wait3A_39 : memref<1x32xi32, #tpu.memory_space<vmem>> -> memref<32xi32, #tpu.memory_space<vmem>>
      %dma_wait3A_41 = arith.constant 0 : i32
      %dma_wait3A_42 = arith.constant 0 : i32
      %dma_wait3A_43 = tpu.memref_slice %arg3[%dma_wait3A_41, %dma_wait3A_42] : memref<2432x768xf32, #tpu.memory_space<hbm>> -> memref<2432x768xf32, #tpu.memory_space<hbm>>
      tpu.wait_indirect_dma semaphore(%arg10 : memref<!tpu.dma_semaphore, #tpu.memory_space<semaphore_mem>>) src(%dma_wait3A_43 : memref<2432x768xf32, #tpu.memory_space<hbm>>) dst(%arg6 : memref<32x768xf32, #tpu.memory_space<vmem>>)
      %mul3A_44 = arith.constant 32 : i32
      %mul3A_45 = arith.muli %add3A_37, %mul3A_44 : i32
      %add3A_46 = arith.addi %mul3A_2, %mul3A_45 : i32
      %dma_start3A_47 = arith.constant 0 : i32
      %dma_start3A_48 = tpu.memref_slice %arg4[%add3A_46, %dma_start3A_47] : memref<65536x768xf32, #tpu.memory_space<hbm>> -> memref<32x768xf32, #tpu.memory_space<hbm>>
      %dma_start3A_49 = arith.constant 0 : i32
      %dma_start3A_50 = tpu.memref_slice %arg4[%add3A_46, %dma_start3A_49] : memref<65536x768xf32, #tpu.memory_space<hbm>> -> memref<32x768xf32, #tpu.memory_space<hbm>>
      tpu.enqueue_dma source(%arg6 : memref<32x768xf32, #tpu.memory_space<vmem>>) target(%dma_start3A_50 : memref<32x768xf32, #tpu.memory_space<hbm>>) target_semaphore(%arg14 : memref<!tpu.dma_semaphore, #tpu.memory_space<semaphore_mem>>)
      %ge3A = arith.constant 1 : i32
      %ge3A_51 = arith.cmpi sge, %add3A_37, %ge3A : i32
      %convert_element_type3A = arith.extui %ge3A_51 : i1 to i32
      %cond3A = arith.constant 0 : i32
      %cond3A_52 = arith.cmpi ne, %convert_element_type3A, %cond3A : i32
      scf.if %cond3A_52 {
        %sub3A_153 = arith.constant 1 : i32
        %sub3A_154 = arith.subi %add3A_37, %sub3A_153 : i32
        %mul3A_155 = arith.constant 32 : i32
        %mul3A_156 = arith.muli %sub3A_154, %mul3A_155 : i32
        %add3A_157 = arith.addi %mul3A_2, %mul3A_156 : i32
        %dma_wait3A_158 = arith.constant 0 : i32
        %dma_wait3A_159 = tpu.memref_slice %arg4[%add3A_157, %dma_wait3A_158] : memref<65536x768xf32, #tpu.memory_space<hbm>> -> memref<32x768xf32, #tpu.memory_space<hbm>>
        %dma_wait3A_160 = arith.constant 0 : i32
        %dma_wait3A_161 = tpu.memref_slice %arg4[%add3A_157, %dma_wait3A_160] : memref<65536x768xf32, #tpu.memory_space<hbm>> -> memref<32x768xf32, #tpu.memory_space<hbm>>
        tpu.wait_dma2 semaphore(%arg17 : memref<!tpu.dma_semaphore, #tpu.memory_space<semaphore_mem>>) src(%arg9 : memref<32x768xf32, #tpu.memory_space<vmem>>) dst(%dma_wait3A_161 : memref<32x768xf32, #tpu.memory_space<hbm>>)
      } else {
      }
      %add3A_53 = arith.constant 4 : i32
      %add3A_54 = arith.addi %add3A_37, %add3A_53 : i32
      %sub3A = arith.constant 1 : i32
      %sub3A_55 = arith.subi %add3A_54, %sub3A : i32
      %lt3A = arith.constant 64 : i32
      %lt3A_56 = arith.cmpi slt, %sub3A_55, %lt3A : i32
      %convert_element_type3A_57 = arith.extui %lt3A_56 : i1 to i32
      %cond3A_58 = arith.constant 0 : i32
      %cond3A_59 = arith.cmpi ne, %convert_element_type3A_57, %cond3A_58 : i32
      scf.if %cond3A_59 {
        %add3A_153 = arith.constant 4 : i32
        %add3A_154 = arith.addi %add3A_37, %add3A_153 : i32
        %sub3A_155 = arith.constant 1 : i32
        %sub3A_156 = arith.subi %add3A_154, %sub3A_155 : i32
        %dma_start3A_157 = arith.constant 0 : i32
        %dma_start3A_158 = tpu.memref_slice %arg5[%sub3A_156, %dma_start3A_157] : memref<64x32xi32, #tpu.memory_space<vmem>> -> memref<1x32xi32, #tpu.memory_space<vmem>>
        %dma_start3A_159 = tpu.memref_squeeze %dma_start3A_158 : memref<1x32xi32, #tpu.memory_space<vmem>> -> memref<32xi32, #tpu.memory_space<vmem>>
        %dma_start3A_160 = arith.constant 0 : i32
        %dma_start3A_161 = arith.constant 0 : i32
        %dma_start3A_162 = tpu.memref_slice %arg3[%dma_start3A_160, %dma_start3A_161] : memref<2432x768xf32, #tpu.memory_space<hbm>> -> memref<2432x768xf32, #tpu.memory_space<hbm>>
        tpu.enqueue_indirect_dma source(%dma_start3A_162 : memref<2432x768xf32, #tpu.memory_space<hbm>>) target(%arg9 : memref<32x768xf32, #tpu.memory_space<vmem>>) offsets(%dma_start3A_159 : memref<32xi32, #tpu.memory_space<vmem>>) semaphore(%arg13 : memref<!tpu.dma_semaphore, #tpu.memory_space<semaphore_mem>>)
      } else {
      }
      %mul3A_60 = arith.constant 4 : i32
      %mul3A_61 = arith.muli %scan3A_33, %mul3A_60 : i32
      %add3A_62 = arith.constant 1 : i32
      %add3A_63 = arith.addi %mul3A_61, %add3A_62 : i32
      %dma_wait3A_64 = arith.constant 0 : i32
      %dma_wait3A_65 = tpu.memref_slice %arg5[%add3A_63, %dma_wait3A_64] : memref<64x32xi32, #tpu.memory_space<vmem>> -> memref<1x32xi32, #tpu.memory_space<vmem>>
      %dma_wait3A_66 = tpu.memref_squeeze %dma_wait3A_65 : memref<1x32xi32, #tpu.memory_space<vmem>> -> memref<32xi32, #tpu.memory_space<vmem>>
      %dma_wait3A_67 = arith.constant 0 : i32
      %dma_wait3A_68 = arith.constant 0 : i32
      %dma_wait3A_69 = tpu.memref_slice %arg3[%dma_wait3A_67, %dma_wait3A_68] : memref<2432x768xf32, #tpu.memory_space<hbm>> -> memref<2432x768xf32, #tpu.memory_space<hbm>>
      tpu.wait_indirect_dma semaphore(%arg11 : memref<!tpu.dma_semaphore, #tpu.memory_space<semaphore_mem>>) src(%dma_wait3A_69 : memref<2432x768xf32, #tpu.memory_space<hbm>>) dst(%arg7 : memref<32x768xf32, #tpu.memory_space<vmem>>)
      %mul3A_70 = arith.constant 32 : i32
      %mul3A_71 = arith.muli %add3A_63, %mul3A_70 : i32
      %add3A_72 = arith.addi %mul3A_2, %mul3A_71 : i32
      %dma_start3A_73 = arith.constant 0 : i32
      %dma_start3A_74 = tpu.memref_slice %arg4[%add3A_72, %dma_start3A_73] : memref<65536x768xf32, #tpu.memory_space<hbm>> -> memref<32x768xf32, #tpu.memory_space<hbm>>
      %dma_start3A_75 = arith.constant 0 : i32
      %dma_start3A_76 = tpu.memref_slice %arg4[%add3A_72, %dma_start3A_75] : memref<65536x768xf32, #tpu.memory_space<hbm>> -> memref<32x768xf32, #tpu.memory_space<hbm>>
      tpu.enqueue_dma source(%arg7 : memref<32x768xf32, #tpu.memory_space<vmem>>) target(%dma_start3A_76 : memref<32x768xf32, #tpu.memory_space<hbm>>) target_semaphore(%arg15 : memref<!tpu.dma_semaphore, #tpu.memory_space<semaphore_mem>>)
      %ge3A_77 = arith.constant 1 : i32
      %ge3A_78 = arith.cmpi sge, %add3A_63, %ge3A_77 : i32
      %convert_element_type3A_79 = arith.extui %ge3A_78 : i1 to i32
      %cond3A_80 = arith.constant 0 : i32
      %cond3A_81 = arith.cmpi ne, %convert_element_type3A_79, %cond3A_80 : i32
      scf.if %cond3A_81 {
        %sub3A_153 = arith.constant 1 : i32
        %sub3A_154 = arith.subi %add3A_63, %sub3A_153 : i32
        %mul3A_155 = arith.constant 32 : i32
        %mul3A_156 = arith.muli %sub3A_154, %mul3A_155 : i32
        %add3A_157 = arith.addi %mul3A_2, %mul3A_156 : i32
        %dma_wait3A_158 = arith.constant 0 : i32
        %dma_wait3A_159 = tpu.memref_slice %arg4[%add3A_157, %dma_wait3A_158] : memref<65536x768xf32, #tpu.memory_space<hbm>> -> memref<32x768xf32, #tpu.memory_space<hbm>>
        %dma_wait3A_160 = arith.constant 0 : i32
        %dma_wait3A_161 = tpu.memref_slice %arg4[%add3A_157, %dma_wait3A_160] : memref<65536x768xf32, #tpu.memory_space<hbm>> -> memref<32x768xf32, #tpu.memory_space<hbm>>
        tpu.wait_dma2 semaphore(%arg14 : memref<!tpu.dma_semaphore, #tpu.memory_space<semaphore_mem>>) src(%arg6 : memref<32x768xf32, #tpu.memory_space<vmem>>) dst(%dma_wait3A_161 : memref<32x768xf32, #tpu.memory_space<hbm>>)
      } else {
      }
      %add3A_82 = arith.constant 4 : i32
      %add3A_83 = arith.addi %add3A_63, %add3A_82 : i32
      %sub3A_84 = arith.constant 1 : i32
      %sub3A_85 = arith.subi %add3A_83, %sub3A_84 : i32
      %lt3A_86 = arith.constant 64 : i32
      %lt3A_87 = arith.cmpi slt, %sub3A_85, %lt3A_86 : i32
      %convert_element_type3A_88 = arith.extui %lt3A_87 : i1 to i32
      %cond3A_89 = arith.constant 0 : i32
      %cond3A_90 = arith.cmpi ne, %convert_element_type3A_88, %cond3A_89 : i32
      scf.if %cond3A_90 {
        %add3A_153 = arith.constant 4 : i32
        %add3A_154 = arith.addi %add3A_63, %add3A_153 : i32
        %sub3A_155 = arith.constant 1 : i32
        %sub3A_156 = arith.subi %add3A_154, %sub3A_155 : i32
        %dma_start3A_157 = arith.constant 0 : i32
        %dma_start3A_158 = tpu.memref_slice %arg5[%sub3A_156, %dma_start3A_157] : memref<64x32xi32, #tpu.memory_space<vmem>> -> memref<1x32xi32, #tpu.memory_space<vmem>>
        %dma_start3A_159 = tpu.memref_squeeze %dma_start3A_158 : memref<1x32xi32, #tpu.memory_space<vmem>> -> memref<32xi32, #tpu.memory_space<vmem>>
        %dma_start3A_160 = arith.constant 0 : i32
        %dma_start3A_161 = arith.constant 0 : i32
        %dma_start3A_162 = tpu.memref_slice %arg3[%dma_start3A_160, %dma_start3A_161] : memref<2432x768xf32, #tpu.memory_space<hbm>> -> memref<2432x768xf32, #tpu.memory_space<hbm>>
        tpu.enqueue_indirect_dma source(%dma_start3A_162 : memref<2432x768xf32, #tpu.memory_space<hbm>>) target(%arg6 : memref<32x768xf32, #tpu.memory_space<vmem>>) offsets(%dma_start3A_159 : memref<32xi32, #tpu.memory_space<vmem>>) semaphore(%arg10 : memref<!tpu.dma_semaphore, #tpu.memory_space<semaphore_mem>>)
      } else {
      }
      %mul3A_91 = arith.constant 4 : i32
      %mul3A_92 = arith.muli %scan3A_33, %mul3A_91 : i32
      %add3A_93 = arith.constant 2 : i32
      %add3A_94 = arith.addi %mul3A_92, %add3A_93 : i32
      %dma_wait3A_95 = arith.constant 0 : i32
      %dma_wait3A_96 = tpu.memref_slice %arg5[%add3A_94, %dma_wait3A_95] : memref<64x32xi32, #tpu.memory_space<vmem>> -> memref<1x32xi32, #tpu.memory_space<vmem>>
      %dma_wait3A_97 = tpu.memref_squeeze %dma_wait3A_96 : memref<1x32xi32, #tpu.memory_space<vmem>> -> memref<32xi32, #tpu.memory_space<vmem>>
      %dma_wait3A_98 = arith.constant 0 : i32
      %dma_wait3A_99 = arith.constant 0 : i32
      %dma_wait3A_100 = tpu.memref_slice %arg3[%dma_wait3A_98, %dma_wait3A_99] : memref<2432x768xf32, #tpu.memory_space<hbm>> -> memref<2432x768xf32, #tpu.memory_space<hbm>>
      tpu.wait_indirect_dma semaphore(%arg12 : memref<!tpu.dma_semaphore, #tpu.memory_space<semaphore_mem>>) src(%dma_wait3A_100 : memref<2432x768xf32, #tpu.memory_space<hbm>>) dst(%arg8 : memref<32x768xf32, #tpu.memory_space<vmem>>)
      %mul3A_101 = arith.constant 32 : i32
      %mul3A_102 = arith.muli %add3A_94, %mul3A_101 : i32
      %add3A_103 = arith.addi %mul3A_2, %mul3A_102 : i32
      %dma_start3A_104 = arith.constant 0 : i32
      %dma_start3A_105 = tpu.memref_slice %arg4[%add3A_103, %dma_start3A_104] : memref<65536x768xf32, #tpu.memory_space<hbm>> -> memref<32x768xf32, #tpu.memory_space<hbm>>
      %dma_start3A_106 = arith.constant 0 : i32
      %dma_start3A_107 = tpu.memref_slice %arg4[%add3A_103, %dma_start3A_106] : memref<65536x768xf32, #tpu.memory_space<hbm>> -> memref<32x768xf32, #tpu.memory_space<hbm>>
      tpu.enqueue_dma source(%arg8 : memref<32x768xf32, #tpu.memory_space<vmem>>) target(%dma_start3A_107 : memref<32x768xf32, #tpu.memory_space<hbm>>) target_semaphore(%arg16 : memref<!tpu.dma_semaphore, #tpu.memory_space<semaphore_mem>>)
      %ge3A_108 = arith.constant 1 : i32
      %ge3A_109 = arith.cmpi sge, %add3A_94, %ge3A_108 : i32
      %convert_element_type3A_110 = arith.extui %ge3A_109 : i1 to i32
      %cond3A_111 = arith.constant 0 : i32
      %cond3A_112 = arith.cmpi ne, %convert_element_type3A_110, %cond3A_111 : i32
      scf.if %cond3A_112 {
        %sub3A_153 = arith.constant 1 : i32
        %sub3A_154 = arith.subi %add3A_94, %sub3A_153 : i32
        %mul3A_155 = arith.constant 32 : i32
        %mul3A_156 = arith.muli %sub3A_154, %mul3A_155 : i32
        %add3A_157 = arith.addi %mul3A_2, %mul3A_156 : i32
        %dma_wait3A_158 = arith.constant 0 : i32
        %dma_wait3A_159 = tpu.memref_slice %arg4[%add3A_157, %dma_wait3A_158] : memref<65536x768xf32, #tpu.memory_space<hbm>> -> memref<32x768xf32, #tpu.memory_space<hbm>>
        %dma_wait3A_160 = arith.constant 0 : i32
        %dma_wait3A_161 = tpu.memref_slice %arg4[%add3A_157, %dma_wait3A_160] : memref<65536x768xf32, #tpu.memory_space<hbm>> -> memref<32x768xf32, #tpu.memory_space<hbm>>
        tpu.wait_dma2 semaphore(%arg15 : memref<!tpu.dma_semaphore, #tpu.memory_space<semaphore_mem>>) src(%arg7 : memref<32x768xf32, #tpu.memory_space<vmem>>) dst(%dma_wait3A_161 : memref<32x768xf32, #tpu.memory_space<hbm>>)
      } else {
      }
      %add3A_113 = arith.constant 4 : i32
      %add3A_114 = arith.addi %add3A_94, %add3A_113 : i32
      %sub3A_115 = arith.constant 1 : i32
      %sub3A_116 = arith.subi %add3A_114, %sub3A_115 : i32
      %lt3A_117 = arith.constant 64 : i32
      %lt3A_118 = arith.cmpi slt, %sub3A_116, %lt3A_117 : i32
      %convert_element_type3A_119 = arith.extui %lt3A_118 : i1 to i32
      %cond3A_120 = arith.constant 0 : i32
      %cond3A_121 = arith.cmpi ne, %convert_element_type3A_119, %cond3A_120 : i32
      scf.if %cond3A_121 {
        %add3A_153 = arith.constant 4 : i32
        %add3A_154 = arith.addi %add3A_94, %add3A_153 : i32
        %sub3A_155 = arith.constant 1 : i32
        %sub3A_156 = arith.subi %add3A_154, %sub3A_155 : i32
        %dma_start3A_157 = arith.constant 0 : i32
        %dma_start3A_158 = tpu.memref_slice %arg5[%sub3A_156, %dma_start3A_157] : memref<64x32xi32, #tpu.memory_space<vmem>> -> memref<1x32xi32, #tpu.memory_space<vmem>>
        %dma_start3A_159 = tpu.memref_squeeze %dma_start3A_158 : memref<1x32xi32, #tpu.memory_space<vmem>> -> memref<32xi32, #tpu.memory_space<vmem>>
        %dma_start3A_160 = arith.constant 0 : i32
        %dma_start3A_161 = arith.constant 0 : i32
        %dma_start3A_162 = tpu.memref_slice %arg3[%dma_start3A_160, %dma_start3A_161] : memref<2432x768xf32, #tpu.memory_space<hbm>> -> memref<2432x768xf32, #tpu.memory_space<hbm>>
        tpu.enqueue_indirect_dma source(%dma_start3A_162 : memref<2432x768xf32, #tpu.memory_space<hbm>>) target(%arg7 : memref<32x768xf32, #tpu.memory_space<vmem>>) offsets(%dma_start3A_159 : memref<32xi32, #tpu.memory_space<vmem>>) semaphore(%arg11 : memref<!tpu.dma_semaphore, #tpu.memory_space<semaphore_mem>>)
      } else {
      }
      %mul3A_122 = arith.constant 4 : i32
      %mul3A_123 = arith.muli %scan3A_33, %mul3A_122 : i32
      %add3A_124 = arith.constant 3 : i32
      %add3A_125 = arith.addi %mul3A_123, %add3A_124 : i32
      %dma_wait3A_126 = arith.constant 0 : i32
      %dma_wait3A_127 = tpu.memref_slice %arg5[%add3A_125, %dma_wait3A_126] : memref<64x32xi32, #tpu.memory_space<vmem>> -> memref<1x32xi32, #tpu.memory_space<vmem>>
      %dma_wait3A_128 = tpu.memref_squeeze %dma_wait3A_127 : memref<1x32xi32, #tpu.memory_space<vmem>> -> memref<32xi32, #tpu.memory_space<vmem>>
      %dma_wait3A_129 = arith.constant 0 : i32
      %dma_wait3A_130 = arith.constant 0 : i32
      %dma_wait3A_131 = tpu.memref_slice %arg3[%dma_wait3A_129, %dma_wait3A_130] : memref<2432x768xf32, #tpu.memory_space<hbm>> -> memref<2432x768xf32, #tpu.memory_space<hbm>>
      tpu.wait_indirect_dma semaphore(%arg13 : memref<!tpu.dma_semaphore, #tpu.memory_space<semaphore_mem>>) src(%dma_wait3A_131 : memref<2432x768xf32, #tpu.memory_space<hbm>>) dst(%arg9 : memref<32x768xf32, #tpu.memory_space<vmem>>)
      %mul3A_132 = arith.constant 32 : i32
      %mul3A_133 = arith.muli %add3A_125, %mul3A_132 : i32
      %add3A_134 = arith.addi %mul3A_2, %mul3A_133 : i32
      %dma_start3A_135 = arith.constant 0 : i32
      %dma_start3A_136 = tpu.memref_slice %arg4[%add3A_134, %dma_start3A_135] : memref<65536x768xf32, #tpu.memory_space<hbm>> -> memref<32x768xf32, #tpu.memory_space<hbm>>
      %dma_start3A_137 = arith.constant 0 : i32
      %dma_start3A_138 = tpu.memref_slice %arg4[%add3A_134, %dma_start3A_137] : memref<65536x768xf32, #tpu.memory_space<hbm>> -> memref<32x768xf32, #tpu.memory_space<hbm>>
      tpu.enqueue_dma source(%arg9 : memref<32x768xf32, #tpu.memory_space<vmem>>) target(%dma_start3A_138 : memref<32x768xf32, #tpu.memory_space<hbm>>) target_semaphore(%arg17 : memref<!tpu.dma_semaphore, #tpu.memory_space<semaphore_mem>>)
      %ge3A_139 = arith.constant 1 : i32
      %ge3A_140 = arith.cmpi sge, %add3A_125, %ge3A_139 : i32
      %convert_element_type3A_141 = arith.extui %ge3A_140 : i1 to i32
      %cond3A_142 = arith.constant 0 : i32
      %cond3A_143 = arith.cmpi ne, %convert_element_type3A_141, %cond3A_142 : i32
      scf.if %cond3A_143 {
        %sub3A_153 = arith.constant 1 : i32
        %sub3A_154 = arith.subi %add3A_125, %sub3A_153 : i32
        %mul3A_155 = arith.constant 32 : i32
        %mul3A_156 = arith.muli %sub3A_154, %mul3A_155 : i32
        %add3A_157 = arith.addi %mul3A_2, %mul3A_156 : i32
        %dma_wait3A_158 = arith.constant 0 : i32
        %dma_wait3A_159 = tpu.memref_slice %arg4[%add3A_157, %dma_wait3A_158] : memref<65536x768xf32, #tpu.memory_space<hbm>> -> memref<32x768xf32, #tpu.memory_space<hbm>>
        %dma_wait3A_160 = arith.constant 0 : i32
        %dma_wait3A_161 = tpu.memref_slice %arg4[%add3A_157, %dma_wait3A_160] : memref<65536x768xf32, #tpu.memory_space<hbm>> -> memref<32x768xf32, #tpu.memory_space<hbm>>
        tpu.wait_dma2 semaphore(%arg16 : memref<!tpu.dma_semaphore, #tpu.memory_space<semaphore_mem>>) src(%arg8 : memref<32x768xf32, #tpu.memory_space<vmem>>) dst(%dma_wait3A_161 : memref<32x768xf32, #tpu.memory_space<hbm>>)
      } else {
      }
      %add3A_144 = arith.constant 4 : i32
      %add3A_145 = arith.addi %add3A_125, %add3A_144 : i32
      %sub3A_146 = arith.constant 1 : i32
      %sub3A_147 = arith.subi %add3A_145, %sub3A_146 : i32
      %lt3A_148 = arith.constant 64 : i32
      %lt3A_149 = arith.cmpi slt, %sub3A_147, %lt3A_148 : i32
      %convert_element_type3A_150 = arith.extui %lt3A_149 : i1 to i32
      %cond3A_151 = arith.constant 0 : i32
      %cond3A_152 = arith.cmpi ne, %convert_element_type3A_150, %cond3A_151 : i32
      scf.if %cond3A_152 {
        %add3A_153 = arith.constant 4 : i32
        %add3A_154 = arith.addi %add3A_125, %add3A_153 : i32
        %sub3A_155 = arith.constant 1 : i32
        %sub3A_156 = arith.subi %add3A_154, %sub3A_155 : i32
        %dma_start3A_157 = arith.constant 0 : i32
        %dma_start3A_158 = tpu.memref_slice %arg5[%sub3A_156, %dma_start3A_157] : memref<64x32xi32, #tpu.memory_space<vmem>> -> memref<1x32xi32, #tpu.memory_space<vmem>>
        %dma_start3A_159 = tpu.memref_squeeze %dma_start3A_158 : memref<1x32xi32, #tpu.memory_space<vmem>> -> memref<32xi32, #tpu.memory_space<vmem>>
        %dma_start3A_160 = arith.constant 0 : i32
        %dma_start3A_161 = arith.constant 0 : i32
        %dma_start3A_162 = tpu.memref_slice %arg3[%dma_start3A_160, %dma_start3A_161] : memref<2432x768xf32, #tpu.memory_space<hbm>> -> memref<2432x768xf32, #tpu.memory_space<hbm>>
        tpu.enqueue_indirect_dma source(%dma_start3A_162 : memref<2432x768xf32, #tpu.memory_space<hbm>>) target(%arg8 : memref<32x768xf32, #tpu.memory_space<vmem>>) offsets(%dma_start3A_159 : memref<32xi32, #tpu.memory_space<vmem>>) semaphore(%arg12 : memref<!tpu.dma_semaphore, #tpu.memory_space<semaphore_mem>>)
      } else {
      }
    }
    %scan3A_27 = arith.constant 16 : i32
    %add3A_28 = arith.constant 2016 : i32
    %add3A_29 = arith.addi %mul3A_2, %add3A_28 : i32
    %dma_wait3A = arith.constant 0 : i32
    %dma_wait3A_30 = tpu.memref_slice %arg4[%add3A_29, %dma_wait3A] : memref<65536x768xf32, #tpu.memory_space<hbm>> -> memref<32x768xf32, #tpu.memory_space<hbm>>
    %dma_wait3A_31 = arith.constant 0 : i32
    %dma_wait3A_32 = tpu.memref_slice %arg4[%add3A_29, %dma_wait3A_31] : memref<65536x768xf32, #tpu.memory_space<hbm>> -> memref<32x768xf32, #tpu.memory_space<hbm>>
    tpu.wait_dma2 semaphore(%arg17 : memref<!tpu.dma_semaphore, #tpu.memory_space<semaphore_mem>>) src(%arg9 : memref<32x768xf32, #tpu.memory_space<vmem>>) dst(%dma_wait3A_32 : memref<32x768xf32, #tpu.memory_space<hbm>>)
    return
  }
}

</mosaic_0001>

<sc_bundles>
// kernel: kernel.3.cloned.1.call-start
scs
__scs_entry_jumppad:
0x0: {  	(pc) =	sbr.rel $0x88, $3  }
0x1: {  	(tag) =	ssettag $0x0;
	lr =	simm.s32 $0x1  }
0x2: {  	[smem:$0x3F9F] =	sst lr;
	_ =	strace $0xD0000000  }
0x3: {  	_ = 	snop  }
0x4: {  	_ = 	snop  }
0x5: {  	_ = 	snop  }
0x6: {  	_ = 	snop  }
0x7: {  	_ = 	snop  }
__scs_overlays_trampoline_lowered:
0x8: {  	[smem:$0x3FAE] =	sst s0  }
0x9: {  	[smem:$0x3FAF] =	sst s1  }
0xa: {  	[smem:$0x3FB0] =	sst s2  }
0xb: {  	[smem:$0x3FB1] =	sst s3  }
0xc: {  	[smem:$0x3FB2] =	sst s4  }
0xd: {  	[smem:$0x3FB3] =	sst s5  }
0xe: {  	[smem:$0x3FB4] =	sst s6  }
0xf: {  	[smem:$0x3FB5] =	sst s7  }
0x10: {  	[smem:$0x3FB6] =	sst s8  }
0x11: {  	[smem:$0x3FB7] =	sst s9;
	s0 =	simm.s32 @!p0 $0x0  }
0x12: {  	s1 =	sld [smem:$0x3F9D];
	s0 =	simm.s32 @p0 $0x1  }
0x13: {  	[smem:$0x3FB8] =	sst s0;
	s0 =	simm.s32 @!p1 $0x0  }
0x14: {  	s2 =	sld [smem:$0x3F9C];
	s0 =	simm.s32 @p1 $0x1  }
0x15: {  	[smem:$0x3FB9] =	sst s0;
	s0 =	simm.s32 @!p2 $0x0  }
0x16: {  	s3 =	sld [smem:$0x3FDB];
	s0 =	simm.s32 @p2 $0x1  }
0x17: {  	s4 =	simm.s32 $0x1BF5;
	[smem:$0x3FBB] =	sst s0  }
0x18: {  	s0 =	sld [smem:$0x3F9E];
	_ =	swait.ge [sflag:s4], $0x0  }
0x19: {  	s7 =	sld [smem:$0x3F9F]  }
0x1a: {  	s8 =	sadd.s32 $0xFFFFE003, lr  }
0x1b: {  	s9 =	sadd.s32 $0xFFFFFEF7, lr;
	s5 =	simm.s32 $0xFFFFFFFF;
	p2 =	slt.u32 s8, $0xFFFFF086  }
0x1c: {  	p1 =	slt.u32 s9, $0xF7A;
	s5 =	simm.s32 @!p2 $0x0  }
0x1d: {  	s5 =	simm.s32 @p1 $0x1;
	p0 =	seq.s32 s7, s2  }
0x1e: {  	s7 =	smul.u32 @!p0 $0xF7A, s2;
	p2 =	seq.s32 @!p0 s5, $0x0  }
0x1f: {  	s9 =	smul.u32 $0xF7A, s1;
	s8 =	simm.s32 @!p0 $0x1BF5;
	p2 =	por !p2, p0  }
0x20: {  	[sflag:s8] =	ssyncset.s32 @!p0 $0xFFFFF086;
	s6 =	sadd.s32 @!p0 s3, s7;
	s7 =	simm.s32 @!p0 $0x108  }
0x21: {  	s3 =	sadd.s32 s3, s9;
	s6 =	sadd.s32 @!p0 $0x88, s6;
	s7 =	simm.s32 @p2 $0x1082  }
0x22: {  	[simem:s7], [sflag:s8] =	dma.local @!p0 [hbm:s6], $0xF7A  }
0x23: {  	s9 =	sor.u32 $0xD0000000, s2;
	s6 =	simm.s32 $0x108;
	_ =	swait.ge @!p0 [sflag:s8], $0x0  }
0x24: {  	s3 =	sadd.s32 $0x88, s3;
	s6 =	simm.s32 @!p1 $0x1082;
	[sflag:s4] =	ssyncset.s32 $0xFFFFF086  }
0x25: {  	[simem:s6], [sflag:s4] =	dma.local [hbm:s3], $0xF7A  }
0x26: {  	[smem:$0x3F9F] =	sst s1;
	(tag) =	ssettag s2;
	_ =	strace s9  }
0x27: {  	s1 =	sld [smem:$0x3FAF]  }
0x28: {  	s2 =	sld [smem:$0x3FB0]  }
0x29: {  	s4 =	sld [smem:$0x3FB2]  }
0x2a: {  	p0 =	seq.s32 s5, $0x0;
	s5 =	sld [smem:$0x3FB3]  }
0x2b: {  	s6 =	sld [smem:$0x3FB4]  }
0x2c: {  	s7 =	sld [smem:$0x3FB5]  }
0x2d: {  	s3 =	simm.s32 $0x108;
	s8 =	sld [smem:$0x3FB6]  }
0x2e: {  	s3 =	simm.s32 @!p0 $0x1082;
	s9 =	sld [smem:$0x3FB7]  }
0x2f: {  	lr =	sadd.s32 s0, s3;
	s0 =	sld [smem:$0x3FAE]  }
0x30: {  	s3 =	sld [smem:$0x3FB1]  }
0x31: {  	[smem:$0x3FBA] =	sst s10  }
0x32: {  	s10 =	sld [smem:$0x3FB8];
	_ =	sdelay $0x3  }
0x33: {  	p0 =	seq.s32 s10, $0x1;
	s10 =	sld [smem:$0x3FBA];
	_ =	sdelay $0x3  }
0x34: {  	[smem:$0x3FBA] =	sst s10  }
0x35: {  	s10 =	sld [smem:$0x3FB9];
	_ =	sdelay $0x3  }
0x36: {  	p1 =	seq.s32 s10, $0x1;
	s10 =	sld [smem:$0x3FBA];
	_ =	sdelay $0x3  }
0x37: {  	[smem:$0x3FBA] =	sst s10  }
0x38: {  	s10 =	sld [smem:$0x3FBB]  }
0x39: {  	_ = 	snop;
	(pc) =	sbr.ind lr, $3  }
0x3a: {  	_ = 	snop  }
0x3b: {  	_ = 	snop  }
0x3c: {  	p2 =	seq.s32 s10, $0x1;
	s10 =	sld [smem:$0x3FBA]  }
0x3d: {  	_ =	shalt  }
0x3e: {  	_ =	shalt  }
0x3f: {  	_ =	shalt  }
0x40: {  	_ =	shalt  }
0x41: {  	_ =	shalt  }
0x42: {  	_ =	shalt  }
0x43: {  	_ =	shalt  }
0x44: {  	_ =	shalt  }
0x45: {  	_ =	shalt  }
0x46: {  	_ =	shalt  }
0x47: {  	_ =	shalt  }
0x48: {  	_ =	shalt  }
0x49: {  	_ =	shalt  }
0x4a: {  	_ =	shalt  }
0x4b: {  	_ =	shalt  }
0x4c: {  	_ =	shalt  }
0x4d: {  	_ =	shalt  }
0x4e: {  	_ =	shalt  }
0x4f: {  	_ =	shalt  }
0x50: {  	_ =	shalt  }
0x51: {  	_ =	shalt  }
0x52: {  	_ =	shalt  }
0x53: {  	_ =	shalt  }
0x54: {  	_ =	shalt  }
0x55: {  	_ =	shalt  }
0x56: {  	_ =	shalt  }
0x57: {  	_ =	shalt  }
0x58: {  	_ =	shalt  }
0x59: {  	_ =	shalt  }
0x5a: {  	_ =	shalt  }
0x5b: {  	_ =	shalt  }
0x5c: {  	_ =	shalt  }
0x5d: {  	_ =	shalt  }
0x5e: {  	_ =	shalt  }
0x5f: {  	_ =	shalt  }
0x60: {  	_ =	shalt  }
0x61: {  	_ =	shalt  }
0x62: {  	_ =	shalt  }
0x63: {  	_ =	shalt  }
0x64: {  	_ =	shalt  }
0x65: {  	_ =	shalt  }
0x66: {  	_ =	shalt  }
0x67: {  	_ =	shalt  }
0x68: {  	_ =	shalt  }
0x69: {  	_ =	shalt  }
0x6a: {  	_ =	shalt  }
0x6b: {  	_ =	shalt  }
0x6c: {  	_ =	shalt  }
0x6d: {  	_ =	shalt  }
0x6e: {  	_ =	shalt  }
0x6f: {  	_ =	shalt  }
0x70: {  	_ =	shalt  }
0x71: {  	_ =	shalt  }
0x72: {  	_ =	shalt  }
0x73: {  	_ =	shalt  }
0x74: {  	_ =	shalt  }
0x75: {  	_ =	shalt  }
0x76: {  	_ =	shalt  }
0x77: {  	_ =	shalt  }
0x78: {  	_ =	shalt  }
0x79: {  	_ =	shalt  }
0x7a: {  	_ =	shalt  }
0x7b: {  	_ =	shalt  }
0x7c: {  	_ =	shalt  }
0x7d: {  	_ =	shalt  }
0x7e: {  	_ =	shalt  }
0x7f: {  	_ =	shalt  }
0x80: {  	_ =	shalt  }
0x81: {  	_ =	shalt  }
0x82: {  	_ =	shalt  }
0x83: {  	_ =	shalt  }
0x84: {  	_ =	shalt  }
0x85: {  	_ =	shalt  }
0x86: {  	_ =	shalt  }
0x87: {  	_ =	shalt  }
.Lfunc_end0:
.L_simem_size_0:
called_computation_lowered:
.L_overlay_start_0:
0x88: {  	s2 =	sld [smem:$0x3FD9]  }
0x89: {  	s3 =	sld [smem:$0x3FFE];
	_ =	sdelay $0x1  }
0x8a: {  	s1 =	srdreg.scid  }
0x8b: {  	s0 =	sand.u32 $0x1, s1  }
0x8c: {  	s14 =	sshll.u32 s0, $0xA;
	s2 =	sadd.s32 s3, s2  }
0x8d: {  	s2 =	sadd.s32 s2, s14  }
0x8e: {  	[smem:$0x3FC6] =	sst s2  }
0x8f: {  	_ = 	snop  }
0x90: {  	s2 =	sld [smem:$0x3FD0];
	_ =	sdelay $0x2  }
0x91: {  	s15 =	simm.s32 $0xA;
	s4 =	simm.s32 $0x10  }
0x92: {  	[smem:s4], [sflag:s15] =	dma.local [hbm:s2], $0x1  }
0x93: {  	_ =	swait.eq [sflag:s15], $0x1  }
0x94: {  	[sflag:s15] =	ssyncset.done $0x0  }
0x95: {  	[sflag:s15] =	ssyncadd.s32 $0xFFFFFFFF  }
0x96: {  	s16 =	sld [smem:$0x10];
	(tm) =	ssettm $0x1  }
0x97: {  	s17 =	sld [smem:$0x3FFB];
	_ =	sdelay $0x3  }
0x98: {  	_ =	strace s17  }
0x99: {  	s3 =	sld [smem:$0x3FFC];
	_ =	sdelay $0x3  }
0x9a: {  	_ =	strace s3  }
0x9b: {  	s3 =	sld [smem:$0x3FFD];
	_ =	sdelay $0x3  }
0x9c: {  	_ =	strace s3  }
0x9d: {  	_ =	strace $0x8FFFFFFF  }
0x9e: {  	s18 =	sld [smem:$0x3FDB];
	_ =	sdelay $0x1  }
0x9f: {  	s19 =	simm.s32 $_scs_section_size  }
0xa0: {  	s5 =	simm.s32 $_size__tile_overlayer_lowered;
	s6 =	simm.s32 $_tile_overlayer_lowered  }
0xa1: {  	s22 =	simm.s32 $0x1BFF;
	s21 =	sshll.u32 s6, $0x1;
	s3 =	sadd.s32 s19, s18  }
0xa2: {  	s7 =	simm.s32 $0x0;
	s20 =	sshll.u32 s5, $0x1;
	s5 =	sadd.s32 s21, s3  }
0xa3: {  	[timem:s7], [sflag:s22] =	dma.local [hbm:s5], s20  }
0xa4: {  	_ =	swait.ge [sflag:s22], s20  }
0xa5: {  	s4 =	ssub.s32 $0x0, s20;
	[sflag:s22] =	ssyncset.done $0x0  }
0xa6: {  	[sflag:s22] =	ssyncadd.s32 s4;
	_ =	sdelay $0x1  }
0xa7: {  	s23 =	simm.s32 $0x1B8B  }
0xa8: {  	_ =	swait.ge [sflag:s23], $0x1  }
0xa9: {  	[sflag:s23] =	ssyncset.done $0x0  }
0xaa: {  	s25 =	simm.s32 $0x1B8E;
	s24 =	sld [smem:$0x3FFE];
	[sflag:s23] =	ssyncadd.s32 $0xFFFFFFFF  }
0xab: {  	s26 =	simm.s32 $execute0_lowered;
	[smem:$0x3FD2] =	sst s25  }
0xac: {  	s5 =	sshll.u32 s26, $0x1;
	_ =	strace $0x80000046;
	[dreg:$0x1] =	wrdreg $0xFFFFFFFF  }
0xad: {  	s28 =	simm.s32 $_size_execute0_lowered;
	s3 =	sadd.s32 s3, s5;
	[dreg:$0x0] =	wrdreg $0x0  }
0xae: {  	s5 =	sshll.u32 s28, $0x1;
	[dreg:$0x2] =	wrdreg s3  }
0xaf: {  	[dreg:$0x3] =	wrdreg s5  }
0xb0: {  	[dreg:$0x4] =	wrdreg $0xC0  }
0xb1: {  	_ =	task [dreg:s7], $0x5FFFF  }
0xb2: {  	[dreg:$0x1] =	wrdreg $0xFFFFFFFF  }
0xb3: {  	[dreg:$0x0] =	wrdreg $0x60  }
0xb4: {  	[dreg:$0x2] =	wrdreg s24  }
0xb5: {  	[dreg:$0x3] =	wrdreg s16  }
0xb6: {  	[dreg:$0x4] =	wrdreg $0x9  }
0xb7: {  	_ =	task.clear_ibuf [dreg:s7], $0x5FFFF;
	_ =	strace $0x90000046  }
0xb8: {  	s29 =	simm.s32 $0x9;
	_ =	strace $0x80000048  }
0xb9: {  	_ =	swait.ge [sflag:s29], $0x1  }
0xba: {  	[sflag:s29] =	ssyncadd.s32 $0xFFFFFFFF  }
0xbb: {  	_ =	strace $0x90000048  }
0xbc: {  	_ =	sfence  }
0xbd: {  	s30 =	sld [smem:$0x0];
	_ =	sdelay $0x2  }
0xbe: {  	s31 =	sshll.u32 s1, $0xD;
	s1 =	sshrl.u32 s1, $0x2  }
0xbf: {  	s3 =	sand.u32 $0x4000, s31;
	s1 =	sadd.s32 s1, s30  }
0xc0: {  	s0 =	sor.u32 s3, s0;
	s1 =	sshll.u32 s1, $0x11  }
0xc1: {  	s0 =	sor.u32 s1, s0  }
0xc2: {  	s0 =	sadd.s32 $0x8F2B, s0  }
0xc3: {  	[sflag:s0] =	ssyncadd.remote.s32 $0x1  }
0xc4: {  	_ =	sfence.sel $0xFFFF  }
0xc5: {  	[dreg:$0x0] =	wrdreg $0xFFFFFFFF;
	(pc) =	sbr.abs _section_cstart, $3  }
0xc6: {  	[dreg:$0x1] =	wrdreg $0xFFFFFFFF  }
0xc7: {  	_ =	task.clear_ibuf [dreg:s7], $0x2FFFF;
	_ =	strace $0x9FFFFFFF  }
0xc8: {  	(tm) =	ssettm $0x7FFFFFFF  }
0xc9: {  	_ =	shalt  }
tec
execute0_lowered:
.L_overlay_start_1:
0x0: {  	(tag) =	ssettag $0x1  }
0x1: {  	s0 =	rddreg [dreg:$0x0]  }
0x2: {  	s1 =	rddreg [dreg:$0x1];
	s3 =	srdreg.scid  }
0x3: {  	s6 =	stileid.u32;
	s2 =	simm.s32 $0x0;
	s14 =	simm.s32 $0xE000  }
0x4: {  	s28 =	simm.s32 $0x1;
	s29 =	simm.s32 $0x14000;
	s30 =	simm.s32 $0x14800  }
0x5: {  	s31 =	simm.s32 $0x15000;
	s12 =	simm.s32 $0x16800;
	s13 =	simm.s32 $0x17000  }
0x6: {  	s10 =	simm.s32 $0x18800;
	s11 =	simm.s32 $0x19000;
	s15 =	simm.s32 $0x2  }
0x7: {  	s16 =	simm.s32 $0x5;
	s17 =	simm.s32 $0x3;
	s18 =	simm.s32 $0x6  }
0x8: {  	s19 =	simm.s32 $0x4;
	s20 =	simm.s32 $0x7;
	s4 =	sand.u32 $0x1, s3  }
0x9: {  	s23 =	sshll.u32 s6, $0xB;
	s6 =	sshll.u32 s6, $0xC;
	[smem:$0x7FF] =	sst s2  }
0xa: {  	s5 =	sshll.u32 s4, $0xA;
	s7 =	sshll.u32 s4, $0xB;
	_ =	strace $0x80000047  }
0xb: {  	s4 =	ssub.s32 $0x2, s4;
	s3 =	sor.u32 s5, s23;
	s24 =	sor.u32 s7, s6  }
0xc: {  	s8 =	sshrl.u32 s4, $0x1;
	s23 =	simm.s32 $0x19800;
	s25 =	sadd.s32 s3, s0  }
0xd: {  	s7 =	sor.u32 $0x60, s24;
	s3 =	sadd.s32 $0x600, s0;
	s5 =	sshrl.u32 s24, $0x3  }
0xe: {  	s4 =	ssub.s32 s4, s8;
	s24 =	simm.s32 $0x0;
	s9 =	smul.u32 $0x300, s5  }
.Ltmp0:
0xf: {  	s7 =	sshrl.u32 s7, $0x3;
	s6 =	sadd.s32 $0x39600, s25;
	(pc) =	sbr.rel .LBB2_1-.Ltmp0, $4  }
0x10: {  	s5 =	sadd.s32 $0x700, s0;
	s26 =	smax.u32 s4, $0x1;
	s4 =	simm.s32 $0x17800  }
0x11: {  	v2 =	vlaneseq.u32;
	s7 =	smul.u32 $0x300, s7;
	[dreg:$0x3] =	wrdreg s6;
	s6 =	sadd.s32 $0x800, s0  }
0x12: {  	vm0 =	vmmov $0xffff;
	v1 =	vshrl.u32 v2, $0x3;
	[dreg:$0x4] =	wrdreg s26;
	s0 =	simm.s32 $0x15800;
	s9 =	sadd.s32 s9, s1  }
0x13: {  	v0 =	vand.u32 $0x7, v2;
	v2 =	vor.u32 $0x8, v2;
	v1 =	vmul.u32 $0x8, v1;
	s8 =	sadd.s32 s7, s1;
	s1 =	simm.s32 $0x16000;
	s7 =	simm.s32 $0x18000  }
.LBB2_4:
0x14: {  	s22 =	simm.s32 $0x8  }
0x15: {  	_ =	swait.ge [sflag:s22], $0x6000  }
0x16: {  	s24 =	rddreg [dreg:$0x5]  }
0x17: {  	s21 =	rddreg [dreg:$0x4];
	s24 =	sadd.s32 $0x1, s24  }
0x18: {  	p0 =	sne.s32 s24, s21  }
.Ltmp1:
0x19: {  	_ = 	snop;
	(pc) =	sbr.rel @!p0 .LBB2_5-.Ltmp1, $3  }
0x1a: {  	_ =	sdelay $0x1  }
0x1b: {  	[sflag:s22] =	ssyncset.done $0x0  }
0x1c: {  	[sflag:s22] =	ssyncadd.s32 $0xFFFFA000  }
.LBB2_1:
0x1d: {  	[dreg:$0x5] =	wrdreg s24  }
0x1e: {  	s21 =	rddreg [dreg:$0x3];
	s22 =	simm.s32 $0x9  }
0x1f: {  	[tilespmem:s2], [sflag:$0x9] =	stream.linear.gather [hbm4b:s21+s2], $0x2000, $0x38;
	[tilespmem:$0x1A000] =	vst v63  }
0x20: {  	_ =	swait.ge [sflag:s22], $0x2000  }
0x21: {  	[sflag:s22] =	ssyncset.done $0x0  }
0x22: {  	[sflag:s22] =	ssyncadd.s32 $0xFFFFE000  }
0x23: {  	v3 =	vld [tilespmem:$0x0];
	_ =	sdelay $0x4  }
0x24: {  	v4 =	vshrl.u32 v3, $0x3  }
0x25: {  	v4 =	vmul.u32 $0x30, v4  }
0x26: {  	v3 =	vand.u32 $0x7, v3  }
0x27: {  	v3 =	vor.u32 v3, v4  }
0x28: {  	v4 =	vperm.xlane v3, v0;
	_ =	sdelay $0x1  }
0x29: {  	v4 =	vadd.s32 v1, v4;
	_ =	sdelay $0x3  }
0x2a: {  	s24 =	simm.s32 $0x2000;
	v3 =	vperm.xlane v3, v2  }
0x2b: {  	[tilespmem:s24], [sflag:$0x1] =	stream.indirect_vreg.gather [hbm4b:s3+s2], $0x80, v4, vm0, $0xb8;
	[tilespmem:$0x1A000] =	vst v63  }
0x2c: {  	s25 =	simm.s32 $0x2800;
	v3 =	vadd.s32 v1, v3  }
0x2d: {  	[tilespmem:s25], [sflag:$0x1] =	stream.indirect_vreg.gather [hbm4b:s5+s2], $0x80, v4, vm0, $0xb8;
	[tilespmem:$0x1A000] =	vst v63  }
0x2e: {  	s26 =	simm.s32 $0x3000  }
0x2f: {  	[tilespmem:s26], [sflag:$0x1] =	stream.indirect_vreg.gather [hbm4b:s6+s2], $0x80, v4, vm0, $0xb8;
	[tilespmem:$0x1A000] =	vst v63  }
0x30: {  	s22 =	simm.s32 $0x3800  }
0x31: {  	[tilespmem:s22], [sflag:$0x1] =	stream.indirect_vreg.gather [hbm4b:s3+s2], $0x80, v3, vm0, $0xb8;
	[tilespmem:$0x1A000] =	vst v63  }
0x32: {  	s24 =	simm.s32 $0x4000  }
0x33: {  	[tilespmem:s24], [sflag:$0x1] =	stream.indirect_vreg.gather [hbm4b:s5+s2], $0x80, v3, vm0, $0xb8;
	[tilespmem:$0x1A000] =	vst v63  }
0x34: {  	s25 =	simm.s32 $0x4800  }
0x35: {  	[tilespmem:s25], [sflag:$0x1] =	stream.indirect_vreg.gather [hbm4b:s6+s2], $0x80, v3, vm0, $0xb8;
	[tilespmem:$0x1A000] =	vst v63  }
0x36: {  	v3 =	vld [tilespmem:$0x10];
	_ =	sdelay $0x4  }
0x37: {  	v59 =	vshrl.u32 v3, $0x3  }
0x38: {  	v4 =	vmul.u32 $0x30, v59  }
0x39: {  	v3 =	vand.u32 $0x7, v3  }
0x3a: {  	v3 =	vor.u32 v3, v4  }
0x3b: {  	v4 =	vperm.xlane v3, v0;
	_ =	sdelay $0x1  }
0x3c: {  	v4 =	vadd.s32 v1, v4;
	_ =	sdelay $0x3  }
0x3d: {  	s26 =	simm.s32 $0x5000;
	v3 =	vperm.xlane v3, v2  }
0x3e: {  	[tilespmem:s26], [sflag:$0x1] =	stream.indirect_vreg.gather [hbm4b:s3+s2], $0x80, v4, vm0, $0xb8;
	[tilespmem:$0x1A000] =	vst v63  }
0x3f: {  	s22 =	simm.s32 $0x5800;
	v3 =	vadd.s32 v1, v3  }
0x40: {  	[tilespmem:s22], [sflag:$0x1] =	stream.indirect_vreg.gather [hbm4b:s5+s2], $0x80, v4, vm0, $0xb8;
	[tilespmem:$0x1A000] =	vst v63  }
0x41: {  	s24 =	simm.s32 $0x6000  }
0x42: {  	[tilespmem:s24], [sflag:$0x1] =	stream.indirect_vreg.gather [hbm4b:s6+s2], $0x80, v4, vm0, $0xb8;
	[tilespmem:$0x1A000] =	vst v63  }
0x43: {  	s25 =	simm.s32 $0x6800  }
0x44: {  	[tilespmem:s25], [sflag:$0x1] =	stream.indirect_vreg.gather [hbm4b:s3+s2], $0x80, v3, vm0, $0xb8;
	[tilespmem:$0x1A000] =	vst v63  }
0x45: {  	s26 =	simm.s32 $0x7000  }
0x46: {  	[tilespmem:s26], [sflag:$0x1] =	stream.indirect_vreg.gather [hbm4b:s5+s2], $0x80, v3, vm0, $0xb8;
	[tilespmem:$0x1A000] =	vst v63  }
0x47: {  	s22 =	simm.s32 $0x7800  }
0x48: {  	[tilespmem:s22], [sflag:$0x1] =	stream.indirect_vreg.gather [hbm4b:s6+s2], $0x80, v3, vm0, $0xb8;
	[tilespmem:$0x1A000] =	vst v63  }
0x49: {  	v3 =	vld [tilespmem:$0x80];
	_ =	sdelay $0x4  }
0x4a: {  	v60 =	vshrl.u32 v3, $0x3  }
0x4b: {  	v4 =	vmul.u32 $0x30, v60  }
0x4c: {  	v3 =	vand.u32 $0x7, v3  }
0x4d: {  	v3 =	vor.u32 v3, v4  }
0x4e: {  	v4 =	vperm.xlane v3, v0;
	_ =	sdelay $0x1  }
0x4f: {  	v4 =	vadd.s32 v1, v4;
	_ =	sdelay $0x3  }
0x50: {  	s24 =	simm.s32 $0x8000;
	v3 =	vperm.xlane v3, v2  }
0x51: {  	[tilespmem:s24], [sflag:$0x2] =	stream.indirect_vreg.gather [hbm4b:s3+s2], $0x80, v4, vm0, $0xb8;
	[tilespmem:$0x1A000] =	vst v63  }
0x52: {  	s25 =	simm.s32 $0x8800;
	v3 =	vadd.s32 v1, v3  }
0x53: {  	[tilespmem:s25], [sflag:$0x2] =	stream.indirect_vreg.gather [hbm4b:s5+s2], $0x80, v4, vm0, $0xb8;
	[tilespmem:$0x1A000] =	vst v63  }
0x54: {  	s26 =	simm.s32 $0x9000  }
0x55: {  	[tilespmem:s26], [sflag:$0x2] =	stream.indirect_vreg.gather [hbm4b:s6+s2], $0x80, v4, vm0, $0xb8;
	[tilespmem:$0x1A000] =	vst v63  }
0x56: {  	s22 =	simm.s32 $0x9800  }
0x57: {  	[tilespmem:s22], [sflag:$0x2] =	stream.indirect_vreg.gather [hbm4b:s3+s2], $0x80, v3, vm0, $0xb8;
	[tilespmem:$0x1A000] =	vst v63  }
0x58: {  	s24 =	simm.s32 $0xA000  }
0x59: {  	[tilespmem:s24], [sflag:$0x2] =	stream.indirect_vreg.gather [hbm4b:s5+s2], $0x80, v3, vm0, $0xb8;
	[tilespmem:$0x1A000] =	vst v63  }
0x5a: {  	s25 =	simm.s32 $0xA800  }
0x5b: {  	[tilespmem:s25], [sflag:$0x2] =	stream.indirect_vreg.gather [hbm4b:s6+s2], $0x80, v3, vm0, $0xb8;
	[tilespmem:$0x1A000] =	vst v63  }
0x5c: {  	v3 =	vld [tilespmem:$0x90];
	_ =	sdelay $0x4  }
0x5d: {  	v61 =	vshrl.u32 v3, $0x3  }
0x5e: {  	v4 =	vmul.u32 $0x30, v61  }
0x5f: {  	v3 =	vand.u32 $0x7, v3  }
0x60: {  	v3 =	vor.u32 v3, v4  }
0x61: {  	v4 =	vperm.xlane v3, v0;
	_ =	sdelay $0x1  }
0x62: {  	v4 =	vadd.s32 v1, v4;
	_ =	sdelay $0x3  }
0x63: {  	s26 =	simm.s32 $0xB000;
	v3 =	vperm.xlane v3, v2  }
0x64: {  	[tilespmem:s26], [sflag:$0x2] =	stream.indirect_vreg.gather [hbm4b:s3+s2], $0x80, v4, vm0, $0xb8;
	[tilespmem:$0x1A000] =	vst v63  }
0x65: {  	s22 =	simm.s32 $0xB800;
	v3 =	vadd.s32 v1, v3  }
0x66: {  	[tilespmem:s22], [sflag:$0x2] =	stream.indirect_vreg.gather [hbm4b:s5+s2], $0x80, v4, vm0, $0xb8;
	[tilespmem:$0x1A000] =	vst v63  }
0x67: {  	s24 =	simm.s32 $0xC000  }
0x68: {  	[tilespmem:s24], [sflag:$0x2] =	stream.indirect_vreg.gather [hbm4b:s6+s2], $0x80, v4, vm0, $0xb8;
	[tilespmem:$0x1A000] =	vst v63  }
0x69: {  	s25 =	simm.s32 $0xC800  }
0x6a: {  	[tilespmem:s25], [sflag:$0x2] =	stream.indirect_vreg.gather [hbm4b:s3+s2], $0x80, v3, vm0, $0xb8;
	[tilespmem:$0x1A000] =	vst v63  }
0x6b: {  	s26 =	simm.s32 $0xD000  }
0x6c: {  	[tilespmem:s26], [sflag:$0x2] =	stream.indirect_vreg.gather [hbm4b:s5+s2], $0x80, v3, vm0, $0xb8;
	[tilespmem:$0x1A000] =	vst v63  }
0x6d: {  	s22 =	simm.s32 $0xD800  }
0x6e: {  	[tilespmem:s22], [sflag:$0x2] =	stream.indirect_vreg.gather [hbm4b:s6+s2], $0x80, v3, vm0, $0xb8;
	[tilespmem:$0x1A000] =	vst v63  }
0x6f: {  	v3 =	vld [tilespmem:$0x100];
	_ =	sdelay $0x4  }
0x70: {  	v62 =	vshrl.u32 v3, $0x3  }
0x71: {  	v4 =	vmul.u32 $0x30, v62  }
0x72: {  	v3 =	vand.u32 $0x7, v3  }
0x73: {  	v3 =	vor.u32 v3, v4  }
0x74: {  	v4 =	vperm.xlane v3, v0;
	_ =	sdelay $0x1  }
0x75: {  	v4 =	vadd.s32 v1, v4;
	_ =	sdelay $0x3  }
0x76: {  	v3 =	vperm.xlane v3, v2  }
0x77: {  	[tilespmem:s14], [sflag:$0x3] =	stream.indirect_vreg.gather [hbm4b:s3+s2], $0x80, v4, vm0, $0xb8;
	[tilespmem:$0x1A000] =	vst v63  }
0x78: {  	s24 =	simm.s32 $0xE800;
	v3 =	vadd.s32 v1, v3  }
0x79: {  	[tilespmem:s24], [sflag:$0x3] =	stream.indirect_vreg.gather [hbm4b:s5+s2], $0x80, v4, vm0, $0xb8;
	[tilespmem:$0x1A000] =	vst v63  }
0x7a: {  	s25 =	simm.s32 $0xF000  }
0x7b: {  	[tilespmem:s25], [sflag:$0x3] =	stream.indirect_vreg.gather [hbm4b:s6+s2], $0x80, v4, vm0, $0xb8;
	[tilespmem:$0x1A000] =	vst v63  }
0x7c: {  	s26 =	simm.s32 $0xF800  }
0x7d: {  	[tilespmem:s26], [sflag:$0x3] =	stream.indirect_vreg.gather [hbm4b:s3+s2], $0x80, v3, vm0, $0xb8;
	[tilespmem:$0x1A000] =	vst v63  }
0x7e: {  	s22 =	simm.s32 $0x10000  }
0x7f: {  	[tilespmem:s22], [sflag:$0x3] =	stream.indirect_vreg.gather [hbm4b:s5+s2], $0x80, v3, vm0, $0xb8;
	[tilespmem:$0x1A000] =	vst v63  }
0x80: {  	s24 =	simm.s32 $0x10800  }
0x81: {  	[tilespmem:s24], [sflag:$0x3] =	stream.indirect_vreg.gather [hbm4b:s6+s2], $0x80, v3, vm0, $0xb8;
	[tilespmem:$0x1A000] =	vst v63  }
0x82: {  	v3 =	vld [tilespmem:$0x110];
	_ =	sdelay $0x4  }
0x83: {  	v63 =	vshrl.u32 v3, $0x3  }
0x84: {  	v4 =	vmul.u32 $0x30, v63  }
0x85: {  	v3 =	vand.u32 $0x7, v3  }
0x86: {  	v3 =	vor.u32 v3, v4  }
0x87: {  	v4 =	vperm.xlane v3, v0;
	_ =	sdelay $0x1  }
0x88: {  	v4 =	vadd.s32 v1, v4;
	_ =	sdelay $0x3  }
0x89: {  	s25 =	simm.s32 $0x11000;
	v3 =	vperm.xlane v3, v2  }
0x8a: {  	[tilespmem:s25], [sflag:$0x3] =	stream.indirect_vreg.gather [hbm4b:s3+s2], $0x80, v4, vm0, $0xb8;
	[tilespmem:$0x1A000] =	vst v63  }
0x8b: {  	s26 =	simm.s32 $0x11800;
	v3 =	vadd.s32 v1, v3  }
0x8c: {  	[tilespmem:s26], [sflag:$0x3] =	stream.indirect_vreg.gather [hbm4b:s5+s2], $0x80, v4, vm0, $0xb8;
	[tilespmem:$0x1A000] =	vst v63  }
0x8d: {  	s22 =	simm.s32 $0x12000  }
0x8e: {  	[tilespmem:s22], [sflag:$0x3] =	stream.indirect_vreg.gather [hbm4b:s6+s2], $0x80, v4, vm0, $0xb8;
	[tilespmem:$0x1A000] =	vst v63  }
0x8f: {  	s24 =	simm.s32 $0x12800  }
0x90: {  	[tilespmem:s24], [sflag:$0x3] =	stream.indirect_vreg.gather [hbm4b:s3+s2], $0x80, v3, vm0, $0xb8;
	[tilespmem:$0x1A000] =	vst v63  }
0x91: {  	s25 =	simm.s32 $0x13000  }
0x92: {  	[tilespmem:s25], [sflag:$0x3] =	stream.indirect_vreg.gather [hbm4b:s5+s2], $0x80, v3, vm0, $0xb8;
	[tilespmem:$0x1A000] =	vst v63  }
0x93: {  	s21 =	simm.s32 $0x190;
	s26 =	simm.s32 $0x13800;
	s22 =	simm.s32 $0x0  }
0x94: {  	[tilespmem:s26], [sflag:$0x3] =	stream.indirect_vreg.gather [hbm4b:s6+s2], $0x80, v3, vm0, $0xb8;
	[tilespmem:$0x1A000] =	vst v63  }
.LBB2_2:
0x95: {  	_ =	swait.ge [sflag:s28], $0x6000  }
0x96: {  	s24 =	sadd.s32 s22, s9;
	[sflag:s28] =	ssyncset.done $0x0  }
0x97: {  	s25 =	simm.s32 $0x2000;
	p0 =	seq.s32 s22, $0x0;
	[sflag:s28] =	ssyncadd.s32 $0xFFFFA000  }
0x98: {  	[hbm4b:s24+s2] =	stream.linear.scatter [tilespmem:s25], [sflag:$0x5], $0x6000, $0x38;
	[tilespmem:$0x1A000] =	vst v63  }
0x99: {  	s25 =	simm.s32 @!p0 $0x8  }
0x9a: {  	_ =	swait.ge @!p0 [sflag:s25], $0x6000  }
0x9b: {  	[sflag:s25] =	ssyncset.done @!p0 $0x0  }
0x9c: {  	[sflag:s25] =	ssyncadd.s32 @!p0 $0xFFFFA000  }
0x9d: {  	v3 =	vld [tilespmem:s21+$0xFFFFFFF0];
	_ =	sdelay $0x4  }
0x9e: {  	v4 =	vshrl.u32 v3, $0x3  }
0x9f: {  	v4 =	vmul.u32 $0x30, v4  }
0xa0: {  	v3 =	vand.u32 $0x7, v3  }
0xa1: {  	v3 =	vor.u32 v3, v4  }
0xa2: {  	v4 =	vperm.xlane v3, v0;
	_ =	sdelay $0x1  }
0xa3: {  	v4 =	vadd.s32 v1, v4;
	_ =	sdelay $0x3  }
0xa4: {  	v3 =	vperm.xlane v3, v2  }
0xa5: {  	[tilespmem:s29], [sflag:$0x4] =	stream.indirect_vreg.gather [hbm4b:s3+s2], $0x80, v4, vm0, $0xb8;
	[tilespmem:$0x1A000] =	vst v63  }
0xa6: {  	v3 =	vadd.s32 v1, v3  }
0xa7: {  	[tilespmem:s30], [sflag:$0x4] =	stream.indirect_vreg.gather [hbm4b:s5+s2], $0x80, v4, vm0, $0xb8;
	[tilespmem:$0x1A000] =	vst v63  }
0xa8: {  	_ = 	snop  }
0xa9: {  	[tilespmem:s31], [sflag:$0x4] =	stream.indirect_vreg.gather [hbm4b:s6+s2], $0x80, v4, vm0, $0xb8;
	[tilespmem:$0x1A000] =	vst v63  }
0xaa: {  	_ = 	snop  }
0xab: {  	[tilespmem:s0], [sflag:$0x4] =	stream.indirect_vreg.gather [hbm4b:s3+s2], $0x80, v3, vm0, $0xb8;
	[tilespmem:$0x1A000] =	vst v63  }
0xac: {  	_ = 	snop  }
0xad: {  	[tilespmem:s1], [sflag:$0x4] =	stream.indirect_vreg.gather [hbm4b:s5+s2], $0x80, v3, vm0, $0xb8;
	[tilespmem:$0x1A000] =	vst v63  }
0xae: {  	_ = 	snop  }
0xaf: {  	[tilespmem:s12], [sflag:$0x4] =	stream.indirect_vreg.gather [hbm4b:s6+s2], $0x80, v3, vm0, $0xb8;
	[tilespmem:$0x1A000] =	vst v63  }
0xb0: {  	v3 =	vld [tilespmem:s21+$0x0];
	_ =	sdelay $0x4  }
0xb1: {  	v63 =	vshrl.u32 v3, $0x3  }
0xb2: {  	v4 =	vmul.u32 $0x30, v63  }
0xb3: {  	v3 =	vand.u32 $0x7, v3  }
0xb4: {  	v3 =	vor.u32 v3, v4  }
0xb5: {  	v4 =	vperm.xlane v3, v0;
	_ =	sdelay $0x1  }
0xb6: {  	v4 =	vadd.s32 v1, v4;
	_ =	sdelay $0x3  }
0xb7: {  	v3 =	vperm.xlane v3, v2  }
0xb8: {  	[tilespmem:s13], [sflag:$0x4] =	stream.indirect_vreg.gather [hbm4b:s3+s2], $0x80, v4, vm0, $0xb8;
	[tilespmem:$0x1A000] =	vst v63  }
0xb9: {  	v3 =	vadd.s32 v1, v3  }
0xba: {  	[tilespmem:s4], [sflag:$0x4] =	stream.indirect_vreg.gather [hbm4b:s5+s2], $0x80, v4, vm0, $0xb8;
	[tilespmem:$0x1A000] =	vst v63  }
0xbb: {  	_ = 	snop  }
0xbc: {  	[tilespmem:s7], [sflag:$0x4] =	stream.indirect_vreg.gather [hbm4b:s6+s2], $0x80, v4, vm0, $0xb8;
	[tilespmem:$0x1A000] =	vst v63  }
0xbd: {  	_ = 	snop  }
0xbe: {  	[tilespmem:s10], [sflag:$0x4] =	stream.indirect_vreg.gather [hbm4b:s3+s2], $0x80, v3, vm0, $0xb8;
	[tilespmem:$0x1A000] =	vst v63  }
0xbf: {  	_ = 	snop  }
0xc0: {  	[tilespmem:s11], [sflag:$0x4] =	stream.indirect_vreg.gather [hbm4b:s5+s2], $0x80, v3, vm0, $0xb8;
	[tilespmem:$0x1A000] =	vst v63  }
0xc1: {  	_ = 	snop  }
0xc2: {  	[tilespmem:s23], [sflag:$0x4] =	stream.indirect_vreg.gather [hbm4b:s6+s2], $0x80, v3, vm0, $0xb8;
	[tilespmem:$0x1A000] =	vst v63  }
0xc3: {  	_ =	swait.ge [sflag:s15], $0x6000  }
0xc4: {  	[sflag:s15] =	ssyncset.done $0x0  }
0xc5: {  	s26 =	simm.s32 $0x8000;
	s25 =	sadd.s32 $0xC00, s24;
	[sflag:s15] =	ssyncadd.s32 $0xFFFFA000  }
0xc6: {  	[hbm4b:s25+s2] =	stream.linear.scatter [tilespmem:s26], [sflag:$0x6], $0x6000, $0x38;
	[tilespmem:$0x1A000] =	vst v63  }
0xc7: {  	_ =	swait.ge [sflag:s16], $0x6000  }
0xc8: {  	[sflag:s16] =	ssyncset.done $0x0  }
0xc9: {  	p0 =	seq.s32 s22, $0x2D000;
	[sflag:s16] =	ssyncadd.s32 $0xFFFFA000  }
0xca: {  	v3 =	vld @!p0 [tilespmem:s21+$0x70];
	_ =	sdelay $0x4  }
0xcb: {  	v4 =	vshrl.u32 @!p0 v3, $0x3  }
0xcc: {  	v4 =	vmul.u32 @!p0 $0x30, v4  }
0xcd: {  	v5 =	vlaneseq.u32 @!p0;
	v3 =	vand.u32 @!p0 $0x7, v3  }
0xce: {  	v6 =	vshrl.u32 @!p0 v5, $0x3;
	v3 =	vor.u32 @!p0 v3, v4;
	v4 =	vand.u32 @!p0 $0x7, v5  }
0xcf: {  	v6 =	vmul.u32 @!p0 $0x8, v6;
	v7 =	vperm.xlane @!p0 v3, v4;
	_ =	sdelay $0x1  }
0xd0: {  	v7 =	vadd.s32 @!p0 v6, v7;
	_ =	sdelay $0x2  }
0xd1: {  	v5 =	vor.u32 @!p0 $0x8, v5  }
0xd2: {  	vm1 =	vmmov @!p0 $0xffff;
	s25 =	simm.s32 @!p0 $0x0;
	s26 =	simm.s32 @!p0 $0x2000;
	v3 =	vperm.xlane @!p0 v3, v5  }
0xd3: {  	[tilespmem:s26], [sflag:$0x1] =	stream.indirect_vreg.gather @!p0 [hbm4b:s3+s25], $0x80, v7, vm1, $0xb8;
	[tilespmem:$0x1A000] =	vst v63  }
0xd4: {  	v3 =	vadd.s32 @!p0 v6, v3;
	s26 =	simm.s32 @!p0 $0x2800  }
0xd5: {  	[tilespmem:s26], [sflag:$0x1] =	stream.indirect_vreg.gather @!p0 [hbm4b:s5+s25], $0x80, v7, vm1, $0xb8;
	[tilespmem:$0x1A000] =	vst v63  }
0xd6: {  	s26 =	simm.s32 @!p0 $0x3000  }
0xd7: {  	[tilespmem:s26], [sflag:$0x1] =	stream.indirect_vreg.gather @!p0 [hbm4b:s6+s25], $0x80, v7, vm1, $0xb8;
	[tilespmem:$0x1A000] =	vst v63  }
0xd8: {  	s26 =	simm.s32 @!p0 $0x3800  }
0xd9: {  	[tilespmem:s26], [sflag:$0x1] =	stream.indirect_vreg.gather @!p0 [hbm4b:s3+s25], $0x80, v3, vm1, $0xb8;
	[tilespmem:$0x1A000] =	vst v63  }
0xda: {  	s26 =	simm.s32 @!p0 $0x4000  }
0xdb: {  	[tilespmem:s26], [sflag:$0x1] =	stream.indirect_vreg.gather @!p0 [hbm4b:s5+s25], $0x80, v3, vm1, $0xb8;
	[tilespmem:$0x1A000] =	vst v63  }
0xdc: {  	s26 =	simm.s32 @!p0 $0x4800  }
0xdd: {  	[tilespmem:s26], [sflag:$0x1] =	stream.indirect_vreg.gather @!p0 [hbm4b:s6+s25], $0x80, v3, vm1, $0xb8;
	[tilespmem:$0x1A000] =	vst v63  }
0xde: {  	v3 =	vld @!p0 [tilespmem:s21+$0x80];
	_ =	sdelay $0x4  }
0xdf: {  	v7 =	vshrl.u32 @!p0 v3, $0x3  }
0xe0: {  	v7 =	vmul.u32 @!p0 $0x30, v7  }
0xe1: {  	v3 =	vand.u32 @!p0 $0x7, v3  }
0xe2: {  	v3 =	vor.u32 @!p0 v3, v7  }
0xe3: {  	v7 =	vperm.xlane @!p0 v3, v4;
	_ =	sdelay $0x1  }
0xe4: {  	v7 =	vadd.s32 @!p0 v6, v7;
	_ =	sdelay $0x3  }
0xe5: {  	s26 =	simm.s32 @!p0 $0x5000;
	v3 =	vperm.xlane @!p0 v3, v5  }
0xe6: {  	[tilespmem:s26], [sflag:$0x1] =	stream.indirect_vreg.gather @!p0 [hbm4b:s3+s25], $0x80, v7, vm1, $0xb8;
	[tilespmem:$0x1A000] =	vst v63  }
0xe7: {  	v3 =	vadd.s32 @!p0 v6, v3;
	s26 =	simm.s32 @!p0 $0x5800  }
0xe8: {  	[tilespmem:s26], [sflag:$0x1] =	stream.indirect_vreg.gather @!p0 [hbm4b:s5+s25], $0x80, v7, vm1, $0xb8;
	[tilespmem:$0x1A000] =	vst v63  }
0xe9: {  	s26 =	simm.s32 @!p0 $0x6000  }
0xea: {  	[tilespmem:s26], [sflag:$0x1] =	stream.indirect_vreg.gather @!p0 [hbm4b:s6+s25], $0x80, v7, vm1, $0xb8;
	[tilespmem:$0x1A000] =	vst v63  }
0xeb: {  	s26 =	simm.s32 @!p0 $0x6800  }
0xec: {  	[tilespmem:s26], [sflag:$0x1] =	stream.indirect_vreg.gather @!p0 [hbm4b:s3+s25], $0x80, v3, vm1, $0xb8;
	[tilespmem:$0x1A000] =	vst v63  }
0xed: {  	s26 =	simm.s32 @!p0 $0x7000  }
0xee: {  	[tilespmem:s26], [sflag:$0x1] =	stream.indirect_vreg.gather @!p0 [hbm4b:s5+s25], $0x80, v3, vm1, $0xb8;
	[tilespmem:$0x1A000] =	vst v63  }
0xef: {  	s26 =	simm.s32 @!p0 $0x7800  }
0xf0: {  	[tilespmem:s26], [sflag:$0x1] =	stream.indirect_vreg.gather @!p0 [hbm4b:s6+s25], $0x80, v3, vm1, $0xb8;
	[tilespmem:$0x1A000] =	vst v63  }
0xf1: {  	_ =	swait.ge [sflag:s17], $0x6000  }
0xf2: {  	[sflag:s17] =	ssyncset.done $0x0  }
0xf3: {  	s24 =	sadd.s32 $0x1800, s24;
	[sflag:s17] =	ssyncadd.s32 $0xFFFFA000  }
0xf4: {  	[hbm4b:s24+s2] =	stream.linear.scatter [tilespmem:s14], [sflag:$0x7], $0x6000, $0x38;
	[tilespmem:$0x1A000] =	vst v63  }
0xf5: {  	_ =	swait.ge [sflag:s18], $0x6000  }
0xf6: {  	[sflag:s18] =	ssyncset.done $0x0  }
0xf7: {  	[sflag:s18] =	ssyncadd.s32 $0xFFFFA000  }
0xf8: {  	v3 =	vld @!p0 [tilespmem:s21+$0xF0];
	_ =	sdelay $0x4  }
0xf9: {  	v7 =	vshrl.u32 @!p0 v3, $0x3  }
0xfa: {  	v7 =	vmul.u32 @!p0 $0x30, v7  }
0xfb: {  	v3 =	vand.u32 @!p0 $0x7, v3  }
0xfc: {  	v3 =	vor.u32 @!p0 v3, v7  }
0xfd: {  	v7 =	vperm.xlane @!p0 v3, v4;
	_ =	sdelay $0x1  }
0xfe: {  	v7 =	vadd.s32 @!p0 v6, v7;
	_ =	sdelay $0x3  }
0xff: {  	s24 =	simm.s32 @!p0 $0x8000;
	v3 =	vperm.xlane @!p0 v3, v5  }
0x100: {  	[tilespmem:s24], [sflag:$0x2] =	stream.indirect_vreg.gather @!p0 [hbm4b:s3+s25], $0x80, v7, vm1, $0xb8;
	[tilespmem:$0x1A000] =	vst v63  }
0x101: {  	v3 =	vadd.s32 @!p0 v6, v3;
	s24 =	simm.s32 @!p0 $0x8800  }
0x102: {  	[tilespmem:s24], [sflag:$0x2] =	stream.indirect_vreg.gather @!p0 [hbm4b:s5+s25], $0x80, v7, vm1, $0xb8;
	[tilespmem:$0x1A000] =	vst v63  }
0x103: {  	s24 =	simm.s32 @!p0 $0x9000  }
0x104: {  	[tilespmem:s24], [sflag:$0x2] =	stream.indirect_vreg.gather @!p0 [hbm4b:s6+s25], $0x80, v7, vm1, $0xb8;
	[tilespmem:$0x1A000] =	vst v63  }
0x105: {  	s24 =	simm.s32 @!p0 $0x9800  }
0x106: {  	[tilespmem:s24], [sflag:$0x2] =	stream.indirect_vreg.gather @!p0 [hbm4b:s3+s25], $0x80, v3, vm1, $0xb8;
	[tilespmem:$0x1A000] =	vst v63  }
0x107: {  	s24 =	simm.s32 @!p0 $0xA000  }
0x108: {  	[tilespmem:s24], [sflag:$0x2] =	stream.indirect_vreg.gather @!p0 [hbm4b:s5+s25], $0x80, v3, vm1, $0xb8;
	[tilespmem:$0x1A000] =	vst v63  }
0x109: {  	s24 =	simm.s32 @!p0 $0xA800  }
0x10a: {  	[tilespmem:s24], [sflag:$0x2] =	stream.indirect_vreg.gather @!p0 [hbm4b:s6+s25], $0x80, v3, vm1, $0xb8;
	[tilespmem:$0x1A000] =	vst v63  }
0x10b: {  	v3 =	vld @!p0 [tilespmem:s21+$0x100];
	_ =	sdelay $0x4  }
0x10c: {  	v7 =	vshrl.u32 @!p0 v3, $0x3  }
0x10d: {  	v7 =	vmul.u32 @!p0 $0x30, v7  }
0x10e: {  	v3 =	vand.u32 @!p0 $0x7, v3  }
0x10f: {  	v3 =	vor.u32 @!p0 v3, v7  }
0x110: {  	v4 =	vperm.xlane @!p0 v3, v4;
	_ =	sdelay $0x1  }
0x111: {  	v4 =	vadd.s32 @!p0 v6, v4;
	_ =	sdelay $0x3  }
0x112: {  	s24 =	simm.s32 @!p0 $0xB000;
	v3 =	vperm.xlane @!p0 v3, v5  }
0x113: {  	[tilespmem:s24], [sflag:$0x2] =	stream.indirect_vreg.gather @!p0 [hbm4b:s3+s25], $0x80, v4, vm1, $0xb8;
	[tilespmem:$0x1A000] =	vst v63  }
0x114: {  	v3 =	vadd.s32 @!p0 v6, v3;
	s24 =	simm.s32 @!p0 $0xB800  }
0x115: {  	[tilespmem:s24], [sflag:$0x2] =	stream.indirect_vreg.gather @!p0 [hbm4b:s5+s25], $0x80, v4, vm1, $0xb8;
	[tilespmem:$0x1A000] =	vst v63  }
0x116: {  	s24 =	simm.s32 @!p0 $0xC000  }
0x117: {  	[tilespmem:s24], [sflag:$0x2] =	stream.indirect_vreg.gather @!p0 [hbm4b:s6+s25], $0x80, v4, vm1, $0xb8;
	[tilespmem:$0x1A000] =	vst v63  }
0x118: {  	s24 =	simm.s32 @!p0 $0xC800  }
0x119: {  	[tilespmem:s24], [sflag:$0x2] =	stream.indirect_vreg.gather @!p0 [hbm4b:s3+s25], $0x80, v3, vm1, $0xb8;
	[tilespmem:$0x1A000] =	vst v63  }
0x11a: {  	s24 =	simm.s32 @!p0 $0xD000  }
0x11b: {  	[tilespmem:s24], [sflag:$0x2] =	stream.indirect_vreg.gather @!p0 [hbm4b:s5+s25], $0x80, v3, vm1, $0xb8;
	[tilespmem:$0x1A000] =	vst v63  }
0x11c: {  	s24 =	simm.s32 @!p0 $0xD800  }
0x11d: {  	[tilespmem:s24], [sflag:$0x2] =	stream.indirect_vreg.gather @!p0 [hbm4b:s6+s25], $0x80, v3, vm1, $0xb8;
	[tilespmem:$0x1A000] =	vst v63  }
0x11e: {  	_ =	swait.ge [sflag:s19], $0x6000  }
0x11f: {  	[sflag:s19] =	ssyncset.done $0x0  }
.Ltmp2:
0x120: {  	s26 =	sadd.s32 s22, s8;
	[sflag:s19] =	ssyncadd.s32 $0xFFFFA000;
	(pc) =	sbr.rel @p0 .LBB2_4-.Ltmp2, $4  }
0x121: {  	[hbm4b:s26+s2] =	stream.linear.scatter [tilespmem:s29], [sflag:$0x8], $0x6000, $0x38;
	[tilespmem:$0x1A000] =	vst v63  }
0x122: {  	_ =	swait.ge [sflag:s20], $0x6000  }
0x123: {  	[sflag:s20] =	ssyncset.done $0x0  }
0x124: {  	[sflag:s20] =	ssyncadd.s32 $0xFFFFA000  }
0x125: {  	v3 =	vld [tilespmem:s21+$0x170];
	_ =	sdelay $0x4  }
0x126: {  	v4 =	vshrl.u32 v3, $0x3  }
0x127: {  	v4 =	vmul.u32 $0x30, v4  }
0x128: {  	v3 =	vand.u32 $0x7, v3  }
0x129: {  	v3 =	vor.u32 v3, v4  }
0x12a: {  	v4 =	vperm.xlane v3, v0;
	_ =	sdelay $0x1  }
0x12b: {  	v4 =	vadd.s32 v1, v4;
	_ =	sdelay $0x3  }
0x12c: {  	v3 =	vperm.xlane v3, v2  }
0x12d: {  	[tilespmem:s14], [sflag:$0x3] =	stream.indirect_vreg.gather [hbm4b:s3+s2], $0x80, v4, vm0, $0xb8;
	[tilespmem:$0x1A000] =	vst v63  }
0x12e: {  	s24 =	simm.s32 $0xE800;
	v3 =	vadd.s32 v1, v3  }
0x12f: {  	[tilespmem:s24], [sflag:$0x3] =	stream.indirect_vreg.gather [hbm4b:s5+s2], $0x80, v4, vm0, $0xb8;
	[tilespmem:$0x1A000] =	vst v63  }
0x130: {  	s25 =	simm.s32 $0xF000  }
0x131: {  	[tilespmem:s25], [sflag:$0x3] =	stream.indirect_vreg.gather [hbm4b:s6+s2], $0x80, v4, vm0, $0xb8;
	[tilespmem:$0x1A000] =	vst v63  }
0x132: {  	s26 =	simm.s32 $0xF800  }
0x133: {  	[tilespmem:s26], [sflag:$0x3] =	stream.indirect_vreg.gather [hbm4b:s3+s2], $0x80, v3, vm0, $0xb8;
	[tilespmem:$0x1A000] =	vst v63  }
0x134: {  	s25 =	simm.s32 $0x10000  }
0x135: {  	[tilespmem:s25], [sflag:$0x3] =	stream.indirect_vreg.gather [hbm4b:s5+s2], $0x80, v3, vm0, $0xb8;
	[tilespmem:$0x1A000] =	vst v63  }
0x136: {  	s26 =	simm.s32 $0x10800  }
0x137: {  	[tilespmem:s26], [sflag:$0x3] =	stream.indirect_vreg.gather [hbm4b:s6+s2], $0x80, v3, vm0, $0xb8;
	[tilespmem:$0x1A000] =	vst v63  }
0x138: {  	v3 =	vld [tilespmem:s21+$0x180];
	_ =	sdelay $0x4  }
0x139: {  	v63 =	vshrl.u32 v3, $0x3  }
0x13a: {  	v4 =	vmul.u32 $0x30, v63  }
0x13b: {  	v3 =	vand.u32 $0x7, v3  }
0x13c: {  	v3 =	vor.u32 v3, v4  }
0x13d: {  	v4 =	vperm.xlane v3, v0;
	_ =	sdelay $0x1  }
0x13e: {  	v4 =	vadd.s32 v1, v4;
	_ =	sdelay $0x3  }
0x13f: {  	s25 =	simm.s32 $0x11000;
	v3 =	vperm.xlane v3, v2  }
0x140: {  	[tilespmem:s25], [sflag:$0x3] =	stream.indirect_vreg.gather [hbm4b:s3+s2], $0x80, v4, vm0, $0xb8;
	[tilespmem:$0x1A000] =	vst v63  }
0x141: {  	s26 =	simm.s32 $0x11800;
	v3 =	vadd.s32 v1, v3  }
0x142: {  	[tilespmem:s26], [sflag:$0x3] =	stream.indirect_vreg.gather [hbm4b:s5+s2], $0x80, v4, vm0, $0xb8;
	[tilespmem:$0x1A000] =	vst v63  }
0x143: {  	s25 =	simm.s32 $0x12000  }
0x144: {  	[tilespmem:s25], [sflag:$0x3] =	stream.indirect_vreg.gather [hbm4b:s6+s2], $0x80, v4, vm0, $0xb8;
	[tilespmem:$0x1A000] =	vst v63  }
0x145: {  	s26 =	simm.s32 $0x12800  }
0x146: {  	[tilespmem:s26], [sflag:$0x3] =	stream.indirect_vreg.gather [hbm4b:s3+s2], $0x80, v3, vm0, $0xb8;
	[tilespmem:$0x1A000] =	vst v63  }
.Ltmp3:
0x147: {  	_ = 	snop;
	(pc) =	sbr.rel .LBB2_2-.Ltmp3, $4  }
0x148: {  	s25 =	simm.s32 $0x13000  }
0x149: {  	[tilespmem:s25], [sflag:$0x3] =	stream.indirect_vreg.gather [hbm4b:s5+s2], $0x80, v3, vm0, $0xb8;
	[tilespmem:$0x1A000] =	vst v63  }
0x14a: {  	s22 =	sadd.s32 $0x3000, s22;
	s21 =	sadd.s32 $0x200, s21;
	s26 =	simm.s32 $0x13800  }
0x14b: {  	[tilespmem:s26], [sflag:$0x3] =	stream.indirect_vreg.gather [hbm4b:s6+s2], $0x80, v3, vm0, $0xb8;
	[tilespmem:$0x1A000] =	vst v63  }
.LBB2_5:
0x14c: {  	_ =	sfence.sel $0x180000  }
0x14d: {  	[bflag:$0x0] =	sbarrier.arrive $0xFFFF  }
0x14e: {  	_ =	strace $0x90000047  }
0x14f: {  	s0 =	stileid.u32;
	[bflag:$0x2] =	sbarrier.arrive $0xFFFF  }
0x150: {  	p0 =	sne.s32 s0, $0x0;
	s0 =	rddreg [dreg:$0x2]  }
0x151: {  	s0 =	sadd.s32 @!p0 $0x100000, s0  }
0x152: {  	[sflag:s0] =	ssyncadd.tile.s32 @!p0 $0x1;
	_ =	shalt  }
.Lfunc_end2:
_tile_overlayer_lowered:
.L_overlay_start_2:
0x153: {  	(tag) =	ssettag $0x2  }
0x154: {  	s0 =	rddreg [dreg:$0x0];
	s2 =	stileid.u32  }
0x155: {  	s1 =	rddreg [dreg:$0x1];
	p0 =	sne.s32 s2, $0x0  }
0x156: {  	s3 =	rddreg [dreg:$0x2];
	[bflag:$0x3] =	sbarrier.arrive $0xFFFF;
	s2 =	simm.s32 @!p0 $0x1C09  }
0x157: {  	[timem:s3], [sflag:s2] =	dma.local @!p0 [hbm:s0], s1  }
0x158: {  	s0 =	simm.s32 @!p0 $0x9  }
0x159: {  	_ =	swait.ge @!p0 [sflag:s0], s1  }
0x15a: {  	s1 =	ssub.s32 @!p0 $0x0, s1;
	[sflag:s0] =	ssyncset.done @!p0 $0x0  }
0x15b: {  	[sflag:s0] =	ssyncadd.s32 @!p0 s1  }
0x15c: {  	[bflag:$0x3] =	sbarrier.arrive $0xFFFF  }
0x15d: {  	_ =	shalt  }

</sc_bundles>
